<compile_context>
chip_gen: v7x
topology: tpu7x:2x2x1
jax: 0.10.2.dev20260603
libtpu: 0.0.44.dev20260713+nightly
codegen_flags: <defaults>
</compile_context>

<pallas_src>
import functools

import jax
import jax.numpy as jnp
from jax import lax
from jax.experimental import pallas as pl
from jax.experimental.pallas import tpu as pltpu
from jax.experimental.pallas import tpu_sc as plsc

NC = 2
NS = 16


def _make_deg(NP, E, CH, RING=16):
    NW = NC * NS
    TOTC = E // CH
    CPT = TOTC // NW
    TAILC = TOTC - CPT * NW
    RPT = NP // NS
    assert TAILC <= NW and (CH * CPT) % 8 == 0
    mesh = plsc.VectorSubcoreMesh(core_axis_name="c", subcore_axis_name="s")

    @functools.partial(
        pl.kernel,
        out_type=jax.ShapeDtypeStruct((NC * NP,), jnp.float32),
        mesh=mesh,
        scratch_types=[
            pltpu.VMEM((CPT + 1, CH), jnp.int32),
            pltpu.VMEM((CH,), jnp.float32),
            pltpu.VMEM_SHARED((NP,), jnp.float32),
            pltpu.SemaphoreType.DMA,
        ],
    )
    def deg_kernel(ei_hbm, dst3_hbm, zeros_hbm, ones_hbm, out_hbm,
                   didx, onesv, deg_sh, sems):
        c_ax = lax.axis_index("c")
        s = lax.axis_index("s")
        wid = s * NC + c_ax
        pltpu.sync_copy(zeros_hbm, deg_sh.at[pl.ds(s * RPT, RPT)])
        pltpu.sync_copy(ones_hbm, onesv)
        pltpu.sync_copy(dst3_hbm.at[wid], didx.at[pl.ds(0, CPT)])

        @pl.when(wid < TAILC)
        def _():
            pltpu.sync_copy(ei_hbm.at[1, pl.ds((CPT * NW + wid) * CH, CH)],
                            didx.at[CPT])

        plsc.subcore_barrier()
        nch = CPT + jnp.where(wid < TAILC, 1, 0)

        def body(j, carry):
            pltpu.async_copy(onesv, deg_sh.at[didx.at[j]], sems, add=True)

            @pl.when(j >= RING)
            def _():
                pltpu.make_async_copy(onesv, deg_sh.at[pl.ds(0, CH)],
                                      sems).wait()
            return carry

        lax.fori_loop(0, nch, body, 0)

        def drain(j, carry):
            pltpu.make_async_copy(onesv, deg_sh.at[pl.ds(0, CH)], sems).wait()
            return carry

        lax.fori_loop(0, jnp.minimum(nch, RING), drain, 0)
        plsc.subcore_barrier()
        pltpu.sync_copy(deg_sh.at[pl.ds(s * RPT, RPT)],
                        out_hbm.at[pl.ds(c_ax * NP + s * RPT, RPT)])

    return deg_kernel


def _make_agg(NP, D, E, CH):
    NW = NC * NS
    TOTC = E // CH
    CPT = TOTC // NW
    TAILC = TOTC - CPT * NW
    RPT = NP // NS
    EPT = CPT * CH
    assert TAILC <= NW and EPT % 8 == 0 and CPT % 6 == 0
    mesh = plsc.VectorSubcoreMesh(core_axis_name="c", subcore_axis_name="s")

    @functools.partial(
        pl.kernel,
        out_type=jax.ShapeDtypeStruct((NC, NP, D), jnp.float32),
        mesh=mesh,
        scratch_types=[
            pltpu.VMEM((3, CH), jnp.int32),
            pltpu.VMEM((CPT + 1, CH), jnp.int32),
            pltpu.VMEM((2, CH, D), jnp.float32),
            pltpu.VMEM_SHARED((NP, D), jnp.float32),
            pltpu.SemaphoreType.DMA,
            pltpu.SemaphoreType.DMA,
            pltpu.SemaphoreType.DMA,
            pltpu.SemaphoreType.DMA,
            pltpu.SemaphoreType.DMA,
        ],
    )
    def agg_kernel(ei_hbm, dst3_hbm, hs_hbm, zeros_hbm, out_hbm,
                   sidx, didx, rows, agg_sh,
                   semi0, semi1, semi2, semg0, semg1):
        semi = (semi0, semi1, semi2)
        semg = (semg0, semg1)
        c_ax = lax.axis_index("c")
        s = lax.axis_index("s")
        wid = s * NC + c_ax

        @pl.when(c_ax == 0)
        def _():
            pltpu.sync_copy(hs_hbm.at[pl.ds(s * RPT, RPT)],
                            agg_sh.at[pl.ds(s * RPT, RPT)])

        @pl.when(c_ax != 0)
        def _():
            pltpu.sync_copy(zeros_hbm, agg_sh.at[pl.ds(s * RPT, RPT)])

        pltpu.sync_copy(dst3_hbm.at[wid], didx.at[pl.ds(0, CPT)])

        @pl.when(wid < TAILC)
        def _():
            pltpu.sync_copy(ei_hbm.at[1, pl.ds((CPT * NW + wid) * CH, CH)],
                            didx.at[CPT])

        base = wid * EPT

        def load_idx(ci, r):
            pltpu.async_copy(ei_hbm.at[0, pl.ds(base + ci * CH, CH)],
                             sidx.at[r], semi[r])

        def wait_idx(r):
            pltpu.make_async_copy(ei_hbm.at[0, pl.ds(0, CH)],
                                  sidx.at[r], semi[r]).wait()

        def start_gather(r, b):
            pltpu.async_copy(hs_hbm.at[sidx.at[r]], rows.at[b], semg[b])

        def wait_gather(b):
            pltpu.make_async_copy(hs_hbm.at[pl.ds(0, CH)],
                                  rows.at[b], semg[b]).wait()

        plsc.subcore_barrier()
        pltpu.sync_copy(ei_hbm.at[0, pl.ds(base, CH)], sidx.at[0])
        pltpu.sync_copy(ei_hbm.at[0, pl.ds(base + CH, CH)], sidx.at[1])
        start_gather(0, 0)
        start_gather(1, 1)
        load_idx(2, 2)

        def body(g, carry):
            for u in range(6):
                ci = 6 * g + u
                b = u % 2
                r = u % 3
                wait_gather(b)
                pltpu.sync_copy(rows.at[b], agg_sh.at[didx.at[ci]], add=True)

                @pl.when(ci + 2 < CPT)
                def _():
                    wait_idx((u + 2) % 3)
                    start_gather((u + 2) % 3, b)

                @pl.when(ci + 3 < CPT)
                def _():
                    load_idx(ci + 3, r)
            return carry

        lax.fori_loop(0, CPT // 6, body, 0)

        @pl.when(wid < TAILC)
        def _tail():
            off = (CPT * NW + wid) * CH
            pltpu.sync_copy(ei_hbm.at[0, pl.ds(off, CH)], sidx.at[0])
            start_gather(0, 0)
            wait_gather(0)
            pltpu.sync_copy(rows.at[0], agg_sh.at[didx.at[CPT]], add=True)

        plsc.subcore_barrier()
        pltpu.sync_copy(agg_sh.at[pl.ds(s * RPT, RPT)],
                        out_hbm.at[c_ax, pl.ds(s * RPT, RPT)])

    return agg_kernel


def _hs_body(degc_ref, x_ref, w_ref, hs_ref):
    dc = degc_ref[...]
    deg = dc[0] + dc[1] + 1.0
    dinv = lax.rsqrt(deg)
    h = lax.dot_general(x_ref[...], w_ref[...], (((1,), (1,)), ((), ())),
                        preferred_element_type=jnp.float32)
    hs_ref[...] = h * dinv


def _make_hs(N, NP, D, BL):
    return pl.pallas_call(
        _hs_body,
        grid=(NP // BL,),
        in_specs=[
            pl.BlockSpec((NC, BL, 1), lambda i: (0, i, 0)),
            pl.BlockSpec((BL, D), lambda i: (i, 0)),
            pl.BlockSpec((D, D), lambda i: (0, 0)),
        ],
        out_specs=pl.BlockSpec((BL, D), lambda i: (i, 0)),
        out_shape=jax.ShapeDtypeStruct((NP, D), jnp.float32),
    )


def _make_final(N, NP, D, BL):
    nblk = NP // BL

    def body(degc_ref, agg_ref, bc_ref, wl_ref, bl_ref, out_ref, acc):
        i = pl.program_id(0)

        @pl.when(i == 0)
        def _init():
            acc[...] = jnp.zeros_like(acc)

        dc = degc_ref[...]
        deg = dc[0] + dc[1] + 1.0
        dinv = lax.rsqrt(deg)
        a = agg_ref[...]
        row = (a[0] + a[1]) * dinv + bc_ref[...]
        row = jnp.maximum(row, 0.0)
        ridx = lax.broadcasted_iota(jnp.int32, (BL, D), 0) + i * BL
        row = jnp.where(ridx < N, row, 0.0)
        acc[...] += jnp.sum(row, axis=0, keepdims=True)

        @pl.when(i == nblk - 1)
        def _fini():
            v = acc[...] * (1.0 / N)
            z = jnp.sum(v * wl_ref[...], axis=1, keepdims=True) + bl_ref[...]
            score = 1.0 / (1.0 + jnp.exp(-z))
            out_ref[...] = jnp.broadcast_to(score, out_ref.shape)

    return pl.pallas_call(
        body,
        grid=(nblk,),
        in_specs=[
            pl.BlockSpec((NC, BL, 1), lambda i: (0, i, 0)),
            pl.BlockSpec((NC, BL, D), lambda i: (0, i, 0)),
            pl.BlockSpec((1, D), lambda i: (0, 0)),
            pl.BlockSpec((1, D), lambda i: (0, 0)),
            pl.BlockSpec((1, 1), lambda i: (0, 0)),
        ],
        out_specs=pl.BlockSpec((8, 128), lambda i: (0, 0)),
        out_shape=jax.ShapeDtypeStruct((8, 128), jnp.float32),
        scratch_shapes=[pltpu.VMEM((1, D), jnp.float32)],
    )


def kernel(x, edge_index, W_conv, b_conv, W_lin, b_lin):
    N, D = x.shape
    E = edge_index.shape[1]
    CH = 128
    BL = 1024

    NP = ((N + BL - 1) // BL) * BL
    ei = edge_index.astype(jnp.int32)
    zrow = jnp.zeros((NP // NS, D), jnp.float32)
    z1 = jnp.zeros((NP // NS,), jnp.float32)
    ones1 = jnp.ones((CH,), jnp.float32)

    NW = NC * NS
    CPT = (E // CH) // NW
    dst3 = ei[1, :CPT * NW * CH].reshape(NW, CPT, CH)

    degf = _make_deg(NP, E, CH)(ei, dst3, z1, ones1)
    degc = degf.reshape(NC, NP, 1)
    hs = _make_hs(N, NP, D, BL)(degc, x, W_conv)
    aggp = _make_agg(NP, D, E, CH)(ei, dst3, hs, zrow)
    out = _make_final(N, NP, D, BL)(
        degc, aggp,
        b_conv.reshape(1, D).astype(jnp.float32),
        W_lin.astype(jnp.float32),
        b_lin.reshape(1, 1).astype(jnp.float32),
    )
    return out[0:1, 0:1]

# --- scband reference (transcript-rebuilt; emitter-appended) ---
"""Pipeline reference for scband-lgadiscriminator-79577154060656 (READ-ONLY COPY).

The authoritative reference and input builder live on the scoring server;
editing this copy changes nothing except your own understanding.
"""

import jax, jax.numpy as jnp
import numpy as np

N_NODES = 10000
N_EDGES = 320000
IN_DIM = 128
HID_DIM = 128


def setup_inputs(seed: int = 0) -> dict:
    key = jax.random.key(seed)
    k1, k2, k3, k4, k5 = jax.random.split(key, 5)
    x = jax.random.normal(k1, (N_NODES, IN_DIM), dtype=jnp.float32)
    edge_index = jax.random.randint(k2, (2, N_EDGES), 0, N_NODES, dtype=jnp.int64)
    # GCNConv weight (PyG: lin has weight [hidden, in], no bias inside lin; bias added post-aggregation)
    glorot = 1.0 / np.sqrt(IN_DIM)
    W_conv = jax.random.uniform(k3, (HID_DIM, IN_DIM), dtype=jnp.float32, minval=-glorot, maxval=glorot)
    b_conv = jnp.zeros((HID_DIM,), dtype=jnp.float32)
    lb = 1.0 / np.sqrt(HID_DIM)
    W_lin = jax.random.uniform(k4, (1, HID_DIM), dtype=jnp.float32, minval=-lb, maxval=lb)
    b_lin = jax.random.uniform(k5, (1,), dtype=jnp.float32, minval=-lb, maxval=lb)
    return {"x": x, "edge_index": edge_index, "W_conv": W_conv, "b_conv": b_conv, "W_lin": W_lin, "b_lin": b_lin}


def _gcn_conv(x, edge_index, W_conv, b_conv):
    N = x.shape[0]
    src = edge_index[0]
    dst = edge_index[1]
    # add self-loops (GCNConv default add_self_loops=True)
    loop = jnp.arange(N, dtype=src.dtype)
    src = jnp.concatenate([src, loop])
    dst = jnp.concatenate([dst, loop])
    ew = jnp.ones(src.shape[0], dtype=x.dtype)
    # symmetric normalization: deg over destination
    deg = jnp.zeros((N,), dtype=x.dtype).at[dst].add(ew)
    deg_inv_sqrt = jnp.where(deg > 0, jax.lax.rsqrt(deg), 0.0)
    norm = deg_inv_sqrt[src] * ew * deg_inv_sqrt[dst]
    # linear transform then propagate
    h = x @ W_conv.T
    msg = h[src] * norm[:, None]
    out = jnp.zeros((N, h.shape[1]), dtype=x.dtype).at[dst].add(msg)
    return out + b_conv


def reference(x, edge_index, W_conv, b_conv, W_lin, b_lin):
    h = jax.nn.relu(_gcn_conv(x, edge_index, W_conv, b_conv))
    # batch = zeros -> global_mean_pool collapses all nodes into one graph
    h_g = jnp.mean(h, axis=0, keepdims=True)  # [1, hidden]
    score = jax.nn.sigmoid(h_g @ W_lin.T + b_lin)  # [1, 1]
    return score

if __name__ == "__main__":
    import jax
    _d = setup_inputs()
    print(jax.jit(kernel)(*tuple(_d.values())))

</pallas_src>

<mosaic_0001>
#map = affine_map<(d0, d1) -> (0, 0)>
#map1 = affine_map<(d0, d1) -> (0, 0, 0)>
#map2 = affine_map<(d0, d1) -> (0)>
module attributes {stable_mosaic.version = 14 : i64} {
  func.func @deg_kernel(%arg0: i32, %arg1: i32, %arg2: memref<2x320000xi32, #tpu.memory_space<hbm>>, %arg3: memref<32x78x128xi32, #tpu.memory_space<hbm>>, %arg4: memref<640xf32, #tpu.memory_space<hbm>>, %arg5: memref<128xf32, #tpu.memory_space<hbm>>, %arg6: memref<20480xf32, #tpu.memory_space<hbm>>, %arg7: memref<79x128xi32, #tpu.memory_space<vmem>>, %arg8: memref<128xf32, #tpu.memory_space<vmem>>, %arg9: memref<10240xf32, #tpu.memory_space<vmem_shared>>, %arg10: memref<!tpu.dma_semaphore, #tpu.memory_space<semaphore_mem>>) attributes {dimension_semantics = [#tpu.dimension_semantics<core_parallel>, #tpu.dimension_semantics<subcore_parallel>], iteration_bounds = array<i64: 2, 16>, scalar_prefetch = 0 : i64, scratch_operands = 4 : i64, tpu.core_type = #tpu.core_type<sc_vector_subcore>, window_params = [{transform_indices = #map}, {transform_indices = #map1}, {transform_indices = #map2}, {transform_indices = #map2}, {transform_indices = #map2}]} {
    %mul3A = arith.constant 2 : i32
    %mul3A_0 = arith.muli %arg1, %mul3A : i32
    %add3A = arith.addi %mul3A_0, %arg0 : i32
    %mul3A_1 = arith.constant 640 : i32
    %mul3A_2 = arith.muli %arg1, %mul3A_1 : i32
    "tpu.region"() ({
      %run_scoped3A = tpu.sem_alloc : memref<!tpu.dma_semaphore, #tpu.memory_space<semaphore_mem>>
      %dma_start3A = tpu.memref_slice %arg9[%mul3A_2] : memref<10240xf32, #tpu.memory_space<vmem_shared>> -> memref<640xf32, #tpu.memory_space<vmem_shared>>
      tpu.enqueue_dma source(%arg4 : memref<640xf32, #tpu.memory_space<hbm>>) target(%dma_start3A : memref<640xf32, #tpu.memory_space<vmem_shared>>) target_semaphore(%run_scoped3A : memref<!tpu.dma_semaphore, #tpu.memory_space<semaphore_mem>>)
      %dma_wait3A = tpu.memref_slice %arg9[%mul3A_2] : memref<10240xf32, #tpu.memory_space<vmem_shared>> -> memref<640xf32, #tpu.memory_space<vmem_shared>>
      tpu.wait_dma2 semaphore(%run_scoped3A : memref<!tpu.dma_semaphore, #tpu.memory_space<semaphore_mem>>) src(%arg4 : memref<640xf32, #tpu.memory_space<hbm>>) dst(%dma_wait3A : memref<640xf32, #tpu.memory_space<vmem_shared>>)
      tpu.yield
    }) : () -> ()
    "tpu.region"() ({
      %run_scoped3A = tpu.sem_alloc : memref<!tpu.dma_semaphore, #tpu.memory_space<semaphore_mem>>
      tpu.enqueue_dma source(%arg5 : memref<128xf32, #tpu.memory_space<hbm>>) target(%arg8 : memref<128xf32, #tpu.memory_space<vmem>>) target_semaphore(%run_scoped3A : memref<!tpu.dma_semaphore, #tpu.memory_space<semaphore_mem>>)
      tpu.wait_dma2 semaphore(%run_scoped3A : memref<!tpu.dma_semaphore, #tpu.memory_space<semaphore_mem>>) src(%arg5 : memref<128xf32, #tpu.memory_space<hbm>>) dst(%arg8 : memref<128xf32, #tpu.memory_space<vmem>>)
      tpu.yield
    }) : () -> ()
    "tpu.region"() ({
      %run_scoped3A = tpu.sem_alloc : memref<!tpu.dma_semaphore, #tpu.memory_space<semaphore_mem>>
      %dma_start3A = arith.constant 0 : i32
      %dma_start3A_38 = arith.constant 0 : i32
      %dma_start3A_39 = tpu.memref_slice %arg7[%dma_start3A, %dma_start3A_38] : memref<79x128xi32, #tpu.memory_space<vmem>> -> memref<78x128xi32, #tpu.memory_space<vmem>>
      %dma_start3A_40 = arith.constant 0 : i32
      %dma_start3A_41 = arith.constant 0 : i32
      %dma_start3A_42 = tpu.memref_slice %arg3[%add3A, %dma_start3A_40, %dma_start3A_41] : memref<32x78x128xi32, #tpu.memory_space<hbm>> -> memref<1x78x128xi32, #tpu.memory_space<hbm>>
      %dma_start3A_43 = tpu.memref_squeeze %dma_start3A_42 : memref<1x78x128xi32, #tpu.memory_space<hbm>> -> memref<78x128xi32, #tpu.memory_space<hbm>>
      %dma_start3A_44 = arith.constant 0 : i32
      %dma_start3A_45 = arith.constant 0 : i32
      %dma_start3A_46 = tpu.memref_slice %arg7[%dma_start3A_44, %dma_start3A_45] : memref<79x128xi32, #tpu.memory_space<vmem>> -> memref<78x128xi32, #tpu.memory_space<vmem>>
      %dma_start3A_47 = arith.constant 0 : i32
      %dma_start3A_48 = arith.constant 0 : i32
      %dma_start3A_49 = tpu.memref_slice %arg3[%add3A, %dma_start3A_47, %dma_start3A_48] : memref<32x78x128xi32, #tpu.memory_space<hbm>> -> memref<1x78x128xi32, #tpu.memory_space<hbm>>
      %dma_start3A_50 = tpu.memref_squeeze %dma_start3A_49 : memref<1x78x128xi32, #tpu.memory_space<hbm>> -> memref<78x128xi32, #tpu.memory_space<hbm>>
      tpu.enqueue_dma source(%dma_start3A_50 : memref<78x128xi32, #tpu.memory_space<hbm>>) target(%dma_start3A_46 : memref<78x128xi32, #tpu.memory_space<vmem>>) target_semaphore(%run_scoped3A : memref<!tpu.dma_semaphore, #tpu.memory_space<semaphore_mem>>)
      %dma_wait3A = arith.constant 0 : i32
      %dma_wait3A_51 = arith.constant 0 : i32
      %dma_wait3A_52 = tpu.memref_slice %arg7[%dma_wait3A, %dma_wait3A_51] : memref<79x128xi32, #tpu.memory_space<vmem>> -> memref<78x128xi32, #tpu.memory_space<vmem>>
      %dma_wait3A_53 = arith.constant 0 : i32
      %dma_wait3A_54 = arith.constant 0 : i32
      %dma_wait3A_55 = tpu.memref_slice %arg3[%add3A, %dma_wait3A_53, %dma_wait3A_54] : memref<32x78x128xi32, #tpu.memory_space<hbm>> -> memref<1x78x128xi32, #tpu.memory_space<hbm>>
      %dma_wait3A_56 = tpu.memref_squeeze %dma_wait3A_55 : memref<1x78x128xi32, #tpu.memory_space<hbm>> -> memref<78x128xi32, #tpu.memory_space<hbm>>
      %dma_wait3A_57 = arith.constant 0 : i32
      %dma_wait3A_58 = arith.constant 0 : i32
      %dma_wait3A_59 = tpu.memref_slice %arg7[%dma_wait3A_57, %dma_wait3A_58] : memref<79x128xi32, #tpu.memory_space<vmem>> -> memref<78x128xi32, #tpu.memory_space<vmem>>
      %dma_wait3A_60 = arith.constant 0 : i32
      %dma_wait3A_61 = arith.constant 0 : i32
      %dma_wait3A_62 = tpu.memref_slice %arg3[%add3A, %dma_wait3A_60, %dma_wait3A_61] : memref<32x78x128xi32, #tpu.memory_space<hbm>> -> memref<1x78x128xi32, #tpu.memory_space<hbm>>
      %dma_wait3A_63 = tpu.memref_squeeze %dma_wait3A_62 : memref<1x78x128xi32, #tpu.memory_space<hbm>> -> memref<78x128xi32, #tpu.memory_space<hbm>>
      tpu.wait_dma2 semaphore(%run_scoped3A : memref<!tpu.dma_semaphore, #tpu.memory_space<semaphore_mem>>) src(%dma_wait3A_63 : memref<78x128xi32, #tpu.memory_space<hbm>>) dst(%dma_wait3A_59 : memref<78x128xi32, #tpu.memory_space<vmem>>)
      tpu.yield
    }) : () -> ()
    %lt3A = arith.constant 4 : i32
    %lt3A_3 = arith.cmpi slt, %add3A, %lt3A : i32
    %convert_element_type3A = arith.extui %lt3A_3 : i1 to i32
    %cond3A = arith.constant 0 : i32
    %cond3A_4 = arith.cmpi ne, %convert_element_type3A, %cond3A : i32
    scf.if %cond3A_4 {
      %add3A_38 = arith.constant 2496 : i32
      %add3A_39 = arith.addi %add3A_38, %add3A : i32
      %mul3A_40 = arith.constant 128 : i32
      %mul3A_41 = arith.muli %add3A_39, %mul3A_40 : i32
      %run_scoped3A = arith.constant 1 : i32
      %run_scoped3A_42 = arith.constant 78 : i32
      "tpu.region"() ({
        %run_scoped3A_43 = tpu.sem_alloc : memref<!tpu.dma_semaphore, #tpu.memory_space<semaphore_mem>>
        %dma_start3A = arith.constant 0 : i32
        %dma_start3A_44 = tpu.memref_slice %arg7[%run_scoped3A_42, %dma_start3A] : memref<79x128xi32, #tpu.memory_space<vmem>> -> memref<1x128xi32, #tpu.memory_space<vmem>>
        %dma_start3A_45 = tpu.memref_squeeze %dma_start3A_44 : memref<1x128xi32, #tpu.memory_space<vmem>> -> memref<128xi32, #tpu.memory_space<vmem>>
        %dma_start3A_46 = tpu.memref_slice %arg2[%run_scoped3A, %mul3A_41] : memref<2x320000xi32, #tpu.memory_space<hbm>> -> memref<1x128xi32, #tpu.memory_space<hbm>>
        %dma_start3A_47 = tpu.memref_squeeze %dma_start3A_46 : memref<1x128xi32, #tpu.memory_space<hbm>> -> memref<128xi32, #tpu.memory_space<hbm>>
        %dma_start3A_48 = arith.constant 0 : i32
        %dma_start3A_49 = tpu.memref_slice %arg7[%run_scoped3A_42, %dma_start3A_48] : memref<79x128xi32, #tpu.memory_space<vmem>> -> memref<1x128xi32, #tpu.memory_space<vmem>>
        %dma_start3A_50 = tpu.memref_squeeze %dma_start3A_49 : memref<1x128xi32, #tpu.memory_space<vmem>> -> memref<128xi32, #tpu.memory_space<vmem>>
        %dma_start3A_51 = tpu.memref_slice %arg2[%run_scoped3A, %mul3A_41] : memref<2x320000xi32, #tpu.memory_space<hbm>> -> memref<1x128xi32, #tpu.memory_space<hbm>>
        %dma_start3A_52 = tpu.memref_squeeze %dma_start3A_51 : memref<1x128xi32, #tpu.memory_space<hbm>> -> memref<128xi32, #tpu.memory_space<hbm>>
        tpu.enqueue_dma source(%dma_start3A_52 : memref<128xi32, #tpu.memory_space<hbm>>) target(%dma_start3A_50 : memref<128xi32, #tpu.memory_space<vmem>>) target_semaphore(%run_scoped3A_43 : memref<!tpu.dma_semaphore, #tpu.memory_space<semaphore_mem>>)
        %dma_wait3A = arith.constant 0 : i32
        %dma_wait3A_53 = tpu.memref_slice %arg7[%run_scoped3A_42, %dma_wait3A] : memref<79x128xi32, #tpu.memory_space<vmem>> -> memref<1x128xi32, #tpu.memory_space<vmem>>
        %dma_wait3A_54 = tpu.memref_squeeze %dma_wait3A_53 : memref<1x128xi32, #tpu.memory_space<vmem>> -> memref<128xi32, #tpu.memory_space<vmem>>
        %dma_wait3A_55 = tpu.memref_slice %arg2[%run_scoped3A, %mul3A_41] : memref<2x320000xi32, #tpu.memory_space<hbm>> -> memref<1x128xi32, #tpu.memory_space<hbm>>
        %dma_wait3A_56 = tpu.memref_squeeze %dma_wait3A_55 : memref<1x128xi32, #tpu.memory_space<hbm>> -> memref<128xi32, #tpu.memory_space<hbm>>
        %dma_wait3A_57 = arith.constant 0 : i32
        %dma_wait3A_58 = tpu.memref_slice %arg7[%run_scoped3A_42, %dma_wait3A_57] : memref<79x128xi32, #tpu.memory_space<vmem>> -> memref<1x128xi32, #tpu.memory_space<vmem>>
        %dma_wait3A_59 = tpu.memref_squeeze %dma_wait3A_58 : memref<1x128xi32, #tpu.memory_space<vmem>> -> memref<128xi32, #tpu.memory_space<vmem>>
        %dma_wait3A_60 = tpu.memref_slice %arg2[%run_scoped3A, %mul3A_41] : memref<2x320000xi32, #tpu.memory_space<hbm>> -> memref<1x128xi32, #tpu.memory_space<hbm>>
        %dma_wait3A_61 = tpu.memref_squeeze %dma_wait3A_60 : memref<1x128xi32, #tpu.memory_space<hbm>> -> memref<128xi32, #tpu.memory_space<hbm>>
        tpu.wait_dma2 semaphore(%run_scoped3A_43 : memref<!tpu.dma_semaphore, #tpu.memory_space<semaphore_mem>>) src(%dma_wait3A_61 : memref<128xi32, #tpu.memory_space<hbm>>) dst(%dma_wait3A_59 : memref<128xi32, #tpu.memory_space<vmem>>)
        tpu.yield
      }) : () -> ()
    } else {
    }
    %barrier3A = arith.constant 0 : index
    tpu.barrier barrier_id(%barrier3A)
    %lt3A_5 = arith.constant 4 : i32
    %lt3A_6 = arith.cmpi slt, %add3A, %lt3A_5 : i32
    %jit3A = arith.constant 1 : i32
    %jit3A_7 = arith.constant 0 : i32
    %select_n3A = arith.select %lt3A_6, %jit3A, %jit3A_7 : i32
    %add3A_8 = arith.constant 78 : i32
    %add3A_9 = arith.addi %add3A_8, %select_n3A : i32
    %while3A = arith.constant 0 : i32
    %while3A_10 = arith.constant 0 : i32
    %while3A_11 = arith.subi %add3A_9, %while3A_10 : i32
    %while3A_12 = arith.addi %while3A_10, %while3A_11 : i32
    %while3A_13 = arith.constant 1 : i32
    %while3A_14 = arith.divsi %while3A_11, %while3A_13 : i32
    %while3A_15 = arith.muli %while3A_14, %while3A_13 : i32
    %while3A_16 = arith.addi %while3A_10, %while3A_15 : i32
    %while3A_17 = arith.constant 1 : i32
    scf.for %while3A_38 = %while3A_10 to %while3A_16 step %while3A_17  : i32 {
      %dma_start3A = arith.constant 0 : i32
      %dma_start3A_39 = tpu.memref_slice %arg7[%while3A_38, %dma_start3A] : memref<79x128xi32, #tpu.memory_space<vmem>> -> memref<1x128xi32, #tpu.memory_space<vmem>>
      %dma_start3A_40 = tpu.memref_squeeze %dma_start3A_39 : memref<1x128xi32, #tpu.memory_space<vmem>> -> memref<128xi32, #tpu.memory_space<vmem>>
      %dma_start3A_41 = arith.constant 0 : i32
      %dma_start3A_42 = tpu.memref_slice %arg9[%dma_start3A_41] : memref<10240xf32, #tpu.memory_space<vmem_shared>> -> memref<10240xf32, #tpu.memory_space<vmem_shared>>
      tpu.enqueue_indirect_dma source(%arg8 : memref<128xf32, #tpu.memory_space<vmem>>) target(%dma_start3A_42 : memref<10240xf32, #tpu.memory_space<vmem_shared>>) offsets(%dma_start3A_40 : memref<128xi32, #tpu.memory_space<vmem>>) semaphore(%arg10 : memref<!tpu.dma_semaphore, #tpu.memory_space<semaphore_mem>>) {add = true}
      %ge3A = arith.constant 16 : i32
      %ge3A_43 = arith.cmpi sge, %while3A_38, %ge3A : i32
      %convert_element_type3A_44 = arith.extui %ge3A_43 : i1 to i32
      %cond3A_45 = arith.constant 0 : i32
      %cond3A_46 = arith.cmpi ne, %convert_element_type3A_44, %cond3A_45 : i32
      scf.if %cond3A_46 {
        %dma_wait3A = arith.constant 0 : i32
        %dma_wait3A_47 = tpu.memref_slice %arg9[%dma_wait3A] : memref<10240xf32, #tpu.memory_space<vmem_shared>> -> memref<128xf32, #tpu.memory_space<vmem_shared>>
        %dma_wait3A_48 = arith.constant 0 : i32
        %dma_wait3A_49 = tpu.memref_slice %arg9[%dma_wait3A_48] : memref<10240xf32, #tpu.memory_space<vmem_shared>> -> memref<128xf32, #tpu.memory_space<vmem_shared>>
        tpu.wait_dma2 semaphore(%arg10 : memref<!tpu.dma_semaphore, #tpu.memory_space<semaphore_mem>>) src(%arg8 : memref<128xf32, #tpu.memory_space<vmem>>) dst(%dma_wait3A_49 : memref<128xf32, #tpu.memory_space<vmem_shared>>)
      } else {
      }
    }
    %while3A_18 = arith.constant 1 : i32
    scf.for %while3A_38 = %while3A_16 to %while3A_12 step %while3A_18  : i32 {
      %dma_start3A = arith.constant 0 : i32
      %dma_start3A_39 = tpu.memref_slice %arg7[%while3A_38, %dma_start3A] : memref<79x128xi32, #tpu.memory_space<vmem>> -> memref<1x128xi32, #tpu.memory_space<vmem>>
      %dma_start3A_40 = tpu.memref_squeeze %dma_start3A_39 : memref<1x128xi32, #tpu.memory_space<vmem>> -> memref<128xi32, #tpu.memory_space<vmem>>
      %dma_start3A_41 = arith.constant 0 : i32
      %dma_start3A_42 = tpu.memref_slice %arg9[%dma_start3A_41] : memref<10240xf32, #tpu.memory_space<vmem_shared>> -> memref<10240xf32, #tpu.memory_space<vmem_shared>>
      tpu.enqueue_indirect_dma source(%arg8 : memref<128xf32, #tpu.memory_space<vmem>>) target(%dma_start3A_42 : memref<10240xf32, #tpu.memory_space<vmem_shared>>) offsets(%dma_start3A_40 : memref<128xi32, #tpu.memory_space<vmem>>) semaphore(%arg10 : memref<!tpu.dma_semaphore, #tpu.memory_space<semaphore_mem>>) {add = true}
      %ge3A = arith.constant 16 : i32
      %ge3A_43 = arith.cmpi sge, %while3A_38, %ge3A : i32
      %convert_element_type3A_44 = arith.extui %ge3A_43 : i1 to i32
      %cond3A_45 = arith.constant 0 : i32
      %cond3A_46 = arith.cmpi ne, %convert_element_type3A_44, %cond3A_45 : i32
      scf.if %cond3A_46 {
        %dma_wait3A = arith.constant 0 : i32
        %dma_wait3A_47 = tpu.memref_slice %arg9[%dma_wait3A] : memref<10240xf32, #tpu.memory_space<vmem_shared>> -> memref<128xf32, #tpu.memory_space<vmem_shared>>
        %dma_wait3A_48 = arith.constant 0 : i32
        %dma_wait3A_49 = tpu.memref_slice %arg9[%dma_wait3A_48] : memref<10240xf32, #tpu.memory_space<vmem_shared>> -> memref<128xf32, #tpu.memory_space<vmem_shared>>
        tpu.wait_dma2 semaphore(%arg10 : memref<!tpu.dma_semaphore, #tpu.memory_space<semaphore_mem>>) src(%arg8 : memref<128xf32, #tpu.memory_space<vmem>>) dst(%dma_wait3A_49 : memref<128xf32, #tpu.memory_space<vmem_shared>>)
      } else {
      }
    }
    %min3A = arith.constant 16 : i32
    %min3A_19 = arith.minsi %add3A_9, %min3A : i32
    %while3A_20 = arith.constant 0 : i32
    %while3A_21 = arith.constant 0 : i32
    %while3A_22 = arith.subi %min3A_19, %while3A_21 : i32
    %while3A_23 = arith.addi %while3A_21, %while3A_22 : i32
    %while3A_24 = arith.constant 1 : i32
    %while3A_25 = arith.divsi %while3A_22, %while3A_24 : i32
    %while3A_26 = arith.muli %while3A_25, %while3A_24 : i32
    %while3A_27 = arith.addi %while3A_21, %while3A_26 : i32
    %while3A_28 = arith.constant 1 : i32
    scf.for %while3A_38 = %while3A_21 to %while3A_27 step %while3A_28  : i32 {
      %dma_wait3A = arith.constant 0 : i32
      %dma_wait3A_39 = tpu.memref_slice %arg9[%dma_wait3A] : memref<10240xf32, #tpu.memory_space<vmem_shared>> -> memref<128xf32, #tpu.memory_space<vmem_shared>>
      %dma_wait3A_40 = arith.constant 0 : i32
      %dma_wait3A_41 = tpu.memref_slice %arg9[%dma_wait3A_40] : memref<10240xf32, #tpu.memory_space<vmem_shared>> -> memref<128xf32, #tpu.memory_space<vmem_shared>>
      tpu.wait_dma2 semaphore(%arg10 : memref<!tpu.dma_semaphore, #tpu.memory_space<semaphore_mem>>) src(%arg8 : memref<128xf32, #tpu.memory_space<vmem>>) dst(%dma_wait3A_41 : memref<128xf32, #tpu.memory_space<vmem_shared>>)
    }
    %while3A_29 = arith.constant 1 : i32
    scf.for %while3A_38 = %while3A_27 to %while3A_23 step %while3A_29  : i32 {
      %dma_wait3A = arith.constant 0 : i32
      %dma_wait3A_39 = tpu.memref_slice %arg9[%dma_wait3A] : memref<10240xf32, #tpu.memory_space<vmem_shared>> -> memref<128xf32, #tpu.memory_space<vmem_shared>>
      %dma_wait3A_40 = arith.constant 0 : i32
      %dma_wait3A_41 = tpu.memref_slice %arg9[%dma_wait3A_40] : memref<10240xf32, #tpu.memory_space<vmem_shared>> -> memref<128xf32, #tpu.memory_space<vmem_shared>>
      tpu.wait_dma2 semaphore(%arg10 : memref<!tpu.dma_semaphore, #tpu.memory_space<semaphore_mem>>) src(%arg8 : memref<128xf32, #tpu.memory_space<vmem>>) dst(%dma_wait3A_41 : memref<128xf32, #tpu.memory_space<vmem_shared>>)
    }
    %barrier3A_30 = arith.constant 0 : index
    tpu.barrier barrier_id(%barrier3A_30)
    %mul3A_31 = arith.constant 640 : i32
    %mul3A_32 = arith.muli %arg1, %mul3A_31 : i32
    %mul3A_33 = arith.constant 10240 : i32
    %mul3A_34 = arith.muli %arg0, %mul3A_33 : i32
    %mul3A_35 = arith.constant 640 : i32
    %mul3A_36 = arith.muli %arg1, %mul3A_35 : i32
    %add3A_37 = arith.addi %mul3A_34, %mul3A_36 : i32
    "tpu.region"() ({
      %run_scoped3A = tpu.sem_alloc : memref<!tpu.dma_semaphore, #tpu.memory_space<semaphore_mem>>
      %dma_start3A = tpu.memref_slice %arg6[%add3A_37] : memref<20480xf32, #tpu.memory_space<hbm>> -> memref<640xf32, #tpu.memory_space<hbm>>
      %dma_start3A_38 = tpu.memref_slice %arg9[%mul3A_32] : memref<10240xf32, #tpu.memory_space<vmem_shared>> -> memref<640xf32, #tpu.memory_space<vmem_shared>>
      tpu.enqueue_dma source(%dma_start3A_38 : memref<640xf32, #tpu.memory_space<vmem_shared>>) target(%dma_start3A : memref<640xf32, #tpu.memory_space<hbm>>) target_semaphore(%run_scoped3A : memref<!tpu.dma_semaphore, #tpu.memory_space<semaphore_mem>>)
      %dma_wait3A = tpu.memref_slice %arg6[%add3A_37] : memref<20480xf32, #tpu.memory_space<hbm>> -> memref<640xf32, #tpu.memory_space<hbm>>
      %dma_wait3A_39 = tpu.memref_slice %arg9[%mul3A_32] : memref<10240xf32, #tpu.memory_space<vmem_shared>> -> memref<640xf32, #tpu.memory_space<vmem_shared>>
      tpu.wait_dma2 semaphore(%run_scoped3A : memref<!tpu.dma_semaphore, #tpu.memory_space<semaphore_mem>>) src(%dma_wait3A_39 : memref<640xf32, #tpu.memory_space<vmem_shared>>) dst(%dma_wait3A : memref<640xf32, #tpu.memory_space<hbm>>)
      tpu.yield
    }) : () -> ()
    return
  }
}

#map = affine_map<(d0, d1) -> (0, 0)>
#map1 = affine_map<(d0, d1) -> (0, 0, 0)>
module attributes {stable_mosaic.version = 14 : i64} {
  func.func @agg_kernel(%arg0: i32, %arg1: i32, %arg2: memref<2x320000xi32, #tpu.memory_space<hbm>>, %arg3: memref<32x78x128xi32, #tpu.memory_space<hbm>>, %arg4: memref<10240x128xf32, #tpu.memory_space<hbm>>, %arg5: memref<640x128xf32, #tpu.memory_space<hbm>>, %arg6: memref<2x10240x128xf32, #tpu.memory_space<hbm>>, %arg7: memref<3x128xi32, #tpu.memory_space<vmem>>, %arg8: memref<79x128xi32, #tpu.memory_space<vmem>>, %arg9: memref<2x128x128xf32, #tpu.memory_space<vmem>>, %arg10: memref<10240x128xf32, #tpu.memory_space<vmem_shared>>, %arg11: memref<!tpu.dma_semaphore, #tpu.memory_space<semaphore_mem>>, %arg12: memref<!tpu.dma_semaphore, #tpu.memory_space<semaphore_mem>>, %arg13: memref<!tpu.dma_semaphore, #tpu.memory_space<semaphore_mem>>, %arg14: memref<!tpu.dma_semaphore, #tpu.memory_space<semaphore_mem>>, %arg15: memref<!tpu.dma_semaphore, #tpu.memory_space<semaphore_mem>>) attributes {dimension_semantics = [#tpu.dimension_semantics<core_parallel>, #tpu.dimension_semantics<subcore_parallel>], iteration_bounds = array<i64: 2, 16>, scalar_prefetch = 0 : i64, scratch_operands = 9 : i64, tpu.core_type = #tpu.core_type<sc_vector_subcore>, window_params = [{transform_indices = #map}, {transform_indices = #map1}, {transform_indices = #map}, {transform_indices = #map}, {transform_indices = #map1}]} {
    %mul3A = arith.constant 2 : i32
    %mul3A_0 = arith.muli %arg1, %mul3A : i32
    %add3A = arith.addi %mul3A_0, %arg0 : i32
    %eq3A = arith.constant 0 : i32
    %eq3A_1 = arith.cmpi eq, %arg0, %eq3A : i32
    %convert_element_type3A = arith.extui %eq3A_1 : i1 to i32
    %cond3A = arith.constant 0 : i32
    %cond3A_2 = arith.cmpi ne, %convert_element_type3A, %cond3A : i32
    scf.if %cond3A_2 {
      %mul3A_70 = arith.constant 640 : i32
      %mul3A_71 = arith.muli %arg1, %mul3A_70 : i32
      %mul3A_72 = arith.constant 640 : i32
      %mul3A_73 = arith.muli %arg1, %mul3A_72 : i32
      "tpu.region"() ({
        %run_scoped3A_74 = tpu.sem_alloc : memref<!tpu.dma_semaphore, #tpu.memory_space<semaphore_mem>>
        %dma_start3A_75 = arith.constant 0 : i32
        %dma_start3A_76 = tpu.memref_slice %arg10[%mul3A_73, %dma_start3A_75] : memref<10240x128xf32, #tpu.memory_space<vmem_shared>> -> memref<640x128xf32, #tpu.memory_space<vmem_shared>>
        %dma_start3A_77 = arith.constant 0 : i32
        %dma_start3A_78 = tpu.memref_slice %arg4[%mul3A_71, %dma_start3A_77] : memref<10240x128xf32, #tpu.memory_space<hbm>> -> memref<640x128xf32, #tpu.memory_space<hbm>>
        tpu.enqueue_dma source(%dma_start3A_78 : memref<640x128xf32, #tpu.memory_space<hbm>>) target(%dma_start3A_76 : memref<640x128xf32, #tpu.memory_space<vmem_shared>>) target_semaphore(%run_scoped3A_74 : memref<!tpu.dma_semaphore, #tpu.memory_space<semaphore_mem>>)
        %dma_wait3A = arith.constant 0 : i32
        %dma_wait3A_79 = tpu.memref_slice %arg10[%mul3A_73, %dma_wait3A] : memref<10240x128xf32, #tpu.memory_space<vmem_shared>> -> memref<640x128xf32, #tpu.memory_space<vmem_shared>>
        %dma_wait3A_80 = arith.constant 0 : i32
        %dma_wait3A_81 = tpu.memref_slice %arg4[%mul3A_71, %dma_wait3A_80] : memref<10240x128xf32, #tpu.memory_space<hbm>> -> memref<640x128xf32, #tpu.memory_space<hbm>>
        tpu.wait_dma2 semaphore(%run_scoped3A_74 : memref<!tpu.dma_semaphore, #tpu.memory_space<semaphore_mem>>) src(%dma_wait3A_81 : memref<640x128xf32, #tpu.memory_space<hbm>>) dst(%dma_wait3A_79 : memref<640x128xf32, #tpu.memory_space<vmem_shared>>)
        tpu.yield
      }) : () -> ()
    } else {
    }
    %ne3A = arith.constant 0 : i32
    %ne3A_3 = arith.cmpi ne, %arg0, %ne3A : i32
    %convert_element_type3A_4 = arith.extui %ne3A_3 : i1 to i32
    %cond3A_5 = arith.constant 0 : i32
    %cond3A_6 = arith.cmpi ne, %convert_element_type3A_4, %cond3A_5 : i32
    scf.if %cond3A_6 {
      %mul3A_70 = arith.constant 640 : i32
      %mul3A_71 = arith.muli %arg1, %mul3A_70 : i32
      "tpu.region"() ({
        %run_scoped3A_72 = tpu.sem_alloc : memref<!tpu.dma_semaphore, #tpu.memory_space<semaphore_mem>>
        %dma_start3A_73 = arith.constant 0 : i32
        %dma_start3A_74 = tpu.memref_slice %arg10[%mul3A_71, %dma_start3A_73] : memref<10240x128xf32, #tpu.memory_space<vmem_shared>> -> memref<640x128xf32, #tpu.memory_space<vmem_shared>>
        tpu.enqueue_dma source(%arg5 : memref<640x128xf32, #tpu.memory_space<hbm>>) target(%dma_start3A_74 : memref<640x128xf32, #tpu.memory_space<vmem_shared>>) target_semaphore(%run_scoped3A_72 : memref<!tpu.dma_semaphore, #tpu.memory_space<semaphore_mem>>)
        %dma_wait3A = arith.constant 0 : i32
        %dma_wait3A_75 = tpu.memref_slice %arg10[%mul3A_71, %dma_wait3A] : memref<10240x128xf32, #tpu.memory_space<vmem_shared>> -> memref<640x128xf32, #tpu.memory_space<vmem_shared>>
        tpu.wait_dma2 semaphore(%run_scoped3A_72 : memref<!tpu.dma_semaphore, #tpu.memory_space<semaphore_mem>>) src(%arg5 : memref<640x128xf32, #tpu.memory_space<hbm>>) dst(%dma_wait3A_75 : memref<640x128xf32, #tpu.memory_space<vmem_shared>>)
        tpu.yield
      }) : () -> ()
    } else {
    }
    "tpu.region"() ({
      %run_scoped3A_70 = tpu.sem_alloc : memref<!tpu.dma_semaphore, #tpu.memory_space<semaphore_mem>>
      %dma_start3A_71 = arith.constant 0 : i32
      %dma_start3A_72 = arith.constant 0 : i32
      %dma_start3A_73 = tpu.memref_slice %arg8[%dma_start3A_71, %dma_start3A_72] : memref<79x128xi32, #tpu.memory_space<vmem>> -> memref<78x128xi32, #tpu.memory_space<vmem>>
      %dma_start3A_74 = arith.constant 0 : i32
      %dma_start3A_75 = arith.constant 0 : i32
      %dma_start3A_76 = tpu.memref_slice %arg3[%add3A, %dma_start3A_74, %dma_start3A_75] : memref<32x78x128xi32, #tpu.memory_space<hbm>> -> memref<1x78x128xi32, #tpu.memory_space<hbm>>
      %dma_start3A_77 = tpu.memref_squeeze %dma_start3A_76 : memref<1x78x128xi32, #tpu.memory_space<hbm>> -> memref<78x128xi32, #tpu.memory_space<hbm>>
      %dma_start3A_78 = arith.constant 0 : i32
      %dma_start3A_79 = arith.constant 0 : i32
      %dma_start3A_80 = tpu.memref_slice %arg8[%dma_start3A_78, %dma_start3A_79] : memref<79x128xi32, #tpu.memory_space<vmem>> -> memref<78x128xi32, #tpu.memory_space<vmem>>
      %dma_start3A_81 = arith.constant 0 : i32
      %dma_start3A_82 = arith.constant 0 : i32
      %dma_start3A_83 = tpu.memref_slice %arg3[%add3A, %dma_start3A_81, %dma_start3A_82] : memref<32x78x128xi32, #tpu.memory_space<hbm>> -> memref<1x78x128xi32, #tpu.memory_space<hbm>>
      %dma_start3A_84 = tpu.memref_squeeze %dma_start3A_83 : memref<1x78x128xi32, #tpu.memory_space<hbm>> -> memref<78x128xi32, #tpu.memory_space<hbm>>
      tpu.enqueue_dma source(%dma_start3A_84 : memref<78x128xi32, #tpu.memory_space<hbm>>) target(%dma_start3A_80 : memref<78x128xi32, #tpu.memory_space<vmem>>) target_semaphore(%run_scoped3A_70 : memref<!tpu.dma_semaphore, #tpu.memory_space<semaphore_mem>>)
      %dma_wait3A = arith.constant 0 : i32
      %dma_wait3A_85 = arith.constant 0 : i32
      %dma_wait3A_86 = tpu.memref_slice %arg8[%dma_wait3A, %dma_wait3A_85] : memref<79x128xi32, #tpu.memory_space<vmem>> -> memref<78x128xi32, #tpu.memory_space<vmem>>
      %dma_wait3A_87 = arith.constant 0 : i32
      %dma_wait3A_88 = arith.constant 0 : i32
      %dma_wait3A_89 = tpu.memref_slice %arg3[%add3A, %dma_wait3A_87, %dma_wait3A_88] : memref<32x78x128xi32, #tpu.memory_space<hbm>> -> memref<1x78x128xi32, #tpu.memory_space<hbm>>
      %dma_wait3A_90 = tpu.memref_squeeze %dma_wait3A_89 : memref<1x78x128xi32, #tpu.memory_space<hbm>> -> memref<78x128xi32, #tpu.memory_space<hbm>>
      %dma_wait3A_91 = arith.constant 0 : i32
      %dma_wait3A_92 = arith.constant 0 : i32
      %dma_wait3A_93 = tpu.memref_slice %arg8[%dma_wait3A_91, %dma_wait3A_92] : memref<79x128xi32, #tpu.memory_space<vmem>> -> memref<78x128xi32, #tpu.memory_space<vmem>>
      %dma_wait3A_94 = arith.constant 0 : i32
      %dma_wait3A_95 = arith.constant 0 : i32
      %dma_wait3A_96 = tpu.memref_slice %arg3[%add3A, %dma_wait3A_94, %dma_wait3A_95] : memref<32x78x128xi32, #tpu.memory_space<hbm>> -> memref<1x78x128xi32, #tpu.memory_space<hbm>>
      %dma_wait3A_97 = tpu.memref_squeeze %dma_wait3A_96 : memref<1x78x128xi32, #tpu.memory_space<hbm>> -> memref<78x128xi32, #tpu.memory_space<hbm>>
      tpu.wait_dma2 semaphore(%run_scoped3A_70 : memref<!tpu.dma_semaphore, #tpu.memory_space<semaphore_mem>>) src(%dma_wait3A_97 : memref<78x128xi32, #tpu.memory_space<hbm>>) dst(%dma_wait3A_93 : memref<78x128xi32, #tpu.memory_space<vmem>>)
      tpu.yield
    }) : () -> ()
    %lt3A = arith.constant 4 : i32
    %lt3A_7 = arith.cmpi slt, %add3A, %lt3A : i32
    %convert_element_type3A_8 = arith.extui %lt3A_7 : i1 to i32
    %cond3A_9 = arith.constant 0 : i32
    %cond3A_10 = arith.cmpi ne, %convert_element_type3A_8, %cond3A_9 : i32
    scf.if %cond3A_10 {
      %add3A_70 = arith.constant 2496 : i32
      %add3A_71 = arith.addi %add3A_70, %add3A : i32
      %mul3A_72 = arith.constant 128 : i32
      %mul3A_73 = arith.muli %add3A_71, %mul3A_72 : i32
      %run_scoped3A_74 = arith.constant 1 : i32
      %run_scoped3A_75 = arith.constant 78 : i32
      "tpu.region"() ({
        %run_scoped3A_76 = tpu.sem_alloc : memref<!tpu.dma_semaphore, #tpu.memory_space<semaphore_mem>>
        %dma_start3A_77 = arith.constant 0 : i32
        %dma_start3A_78 = tpu.memref_slice %arg8[%run_scoped3A_75, %dma_start3A_77] : memref<79x128xi32, #tpu.memory_space<vmem>> -> memref<1x128xi32, #tpu.memory_space<vmem>>
        %dma_start3A_79 = tpu.memref_squeeze %dma_start3A_78 : memref<1x128xi32, #tpu.memory_space<vmem>> -> memref<128xi32, #tpu.memory_space<vmem>>
        %dma_start3A_80 = tpu.memref_slice %arg2[%run_scoped3A_74, %mul3A_73] : memref<2x320000xi32, #tpu.memory_space<hbm>> -> memref<1x128xi32, #tpu.memory_space<hbm>>
        %dma_start3A_81 = tpu.memref_squeeze %dma_start3A_80 : memref<1x128xi32, #tpu.memory_space<hbm>> -> memref<128xi32, #tpu.memory_space<hbm>>
        %dma_start3A_82 = arith.constant 0 : i32
        %dma_start3A_83 = tpu.memref_slice %arg8[%run_scoped3A_75, %dma_start3A_82] : memref<79x128xi32, #tpu.memory_space<vmem>> -> memref<1x128xi32, #tpu.memory_space<vmem>>
        %dma_start3A_84 = tpu.memref_squeeze %dma_start3A_83 : memref<1x128xi32, #tpu.memory_space<vmem>> -> memref<128xi32, #tpu.memory_space<vmem>>
        %dma_start3A_85 = tpu.memref_slice %arg2[%run_scoped3A_74, %mul3A_73] : memref<2x320000xi32, #tpu.memory_space<hbm>> -> memref<1x128xi32, #tpu.memory_space<hbm>>
        %dma_start3A_86 = tpu.memref_squeeze %dma_start3A_85 : memref<1x128xi32, #tpu.memory_space<hbm>> -> memref<128xi32, #tpu.memory_space<hbm>>
        tpu.enqueue_dma source(%dma_start3A_86 : memref<128xi32, #tpu.memory_space<hbm>>) target(%dma_start3A_84 : memref<128xi32, #tpu.memory_space<vmem>>) target_semaphore(%run_scoped3A_76 : memref<!tpu.dma_semaphore, #tpu.memory_space<semaphore_mem>>)
        %dma_wait3A = arith.constant 0 : i32
        %dma_wait3A_87 = tpu.memref_slice %arg8[%run_scoped3A_75, %dma_wait3A] : memref<79x128xi32, #tpu.memory_space<vmem>> -> memref<1x128xi32, #tpu.memory_space<vmem>>
        %dma_wait3A_88 = tpu.memref_squeeze %dma_wait3A_87 : memref<1x128xi32, #tpu.memory_space<vmem>> -> memref<128xi32, #tpu.memory_space<vmem>>
        %dma_wait3A_89 = tpu.memref_slice %arg2[%run_scoped3A_74, %mul3A_73] : memref<2x320000xi32, #tpu.memory_space<hbm>> -> memref<1x128xi32, #tpu.memory_space<hbm>>
        %dma_wait3A_90 = tpu.memref_squeeze %dma_wait3A_89 : memref<1x128xi32, #tpu.memory_space<hbm>> -> memref<128xi32, #tpu.memory_space<hbm>>
        %dma_wait3A_91 = arith.constant 0 : i32
        %dma_wait3A_92 = tpu.memref_slice %arg8[%run_scoped3A_75, %dma_wait3A_91] : memref<79x128xi32, #tpu.memory_space<vmem>> -> memref<1x128xi32, #tpu.memory_space<vmem>>
        %dma_wait3A_93 = tpu.memref_squeeze %dma_wait3A_92 : memref<1x128xi32, #tpu.memory_space<vmem>> -> memref<128xi32, #tpu.memory_space<vmem>>
        %dma_wait3A_94 = tpu.memref_slice %arg2[%run_scoped3A_74, %mul3A_73] : memref<2x320000xi32, #tpu.memory_space<hbm>> -> memref<1x128xi32, #tpu.memory_space<hbm>>
        %dma_wait3A_95 = tpu.memref_squeeze %dma_wait3A_94 : memref<1x128xi32, #tpu.memory_space<hbm>> -> memref<128xi32, #tpu.memory_space<hbm>>
        tpu.wait_dma2 semaphore(%run_scoped3A_76 : memref<!tpu.dma_semaphore, #tpu.memory_space<semaphore_mem>>) src(%dma_wait3A_95 : memref<128xi32, #tpu.memory_space<hbm>>) dst(%dma_wait3A_93 : memref<128xi32, #tpu.memory_space<vmem>>)
        tpu.yield
      }) : () -> ()
    } else {
    }
    %mul3A_11 = arith.constant 9984 : i32
    %mul3A_12 = arith.muli %add3A, %mul3A_11 : i32
    %barrier3A = arith.constant 0 : index
    tpu.barrier barrier_id(%barrier3A)
    %run_scoped3A = arith.constant 0 : i32
    %run_scoped3A_13 = arith.constant 0 : i32
    "tpu.region"() ({
      %run_scoped3A_70 = tpu.sem_alloc : memref<!tpu.dma_semaphore, #tpu.memory_space<semaphore_mem>>
      %dma_start3A_71 = arith.constant 0 : i32
      %dma_start3A_72 = tpu.memref_slice %arg7[%run_scoped3A_13, %dma_start3A_71] : memref<3x128xi32, #tpu.memory_space<vmem>> -> memref<1x128xi32, #tpu.memory_space<vmem>>
      %dma_start3A_73 = tpu.memref_squeeze %dma_start3A_72 : memref<1x128xi32, #tpu.memory_space<vmem>> -> memref<128xi32, #tpu.memory_space<vmem>>
      %dma_start3A_74 = tpu.memref_slice %arg2[%run_scoped3A, %mul3A_12] : memref<2x320000xi32, #tpu.memory_space<hbm>> -> memref<1x128xi32, #tpu.memory_space<hbm>>
      %dma_start3A_75 = tpu.memref_squeeze %dma_start3A_74 : memref<1x128xi32, #tpu.memory_space<hbm>> -> memref<128xi32, #tpu.memory_space<hbm>>
      %dma_start3A_76 = arith.constant 0 : i32
      %dma_start3A_77 = tpu.memref_slice %arg7[%run_scoped3A_13, %dma_start3A_76] : memref<3x128xi32, #tpu.memory_space<vmem>> -> memref<1x128xi32, #tpu.memory_space<vmem>>
      %dma_start3A_78 = tpu.memref_squeeze %dma_start3A_77 : memref<1x128xi32, #tpu.memory_space<vmem>> -> memref<128xi32, #tpu.memory_space<vmem>>
      %dma_start3A_79 = tpu.memref_slice %arg2[%run_scoped3A, %mul3A_12] : memref<2x320000xi32, #tpu.memory_space<hbm>> -> memref<1x128xi32, #tpu.memory_space<hbm>>
      %dma_start3A_80 = tpu.memref_squeeze %dma_start3A_79 : memref<1x128xi32, #tpu.memory_space<hbm>> -> memref<128xi32, #tpu.memory_space<hbm>>
      tpu.enqueue_dma source(%dma_start3A_80 : memref<128xi32, #tpu.memory_space<hbm>>) target(%dma_start3A_78 : memref<128xi32, #tpu.memory_space<vmem>>) target_semaphore(%run_scoped3A_70 : memref<!tpu.dma_semaphore, #tpu.memory_space<semaphore_mem>>)
      %dma_wait3A = arith.constant 0 : i32
      %dma_wait3A_81 = tpu.memref_slice %arg7[%run_scoped3A_13, %dma_wait3A] : memref<3x128xi32, #tpu.memory_space<vmem>> -> memref<1x128xi32, #tpu.memory_space<vmem>>
      %dma_wait3A_82 = tpu.memref_squeeze %dma_wait3A_81 : memref<1x128xi32, #tpu.memory_space<vmem>> -> memref<128xi32, #tpu.memory_space<vmem>>
      %dma_wait3A_83 = tpu.memref_slice %arg2[%run_scoped3A, %mul3A_12] : memref<2x320000xi32, #tpu.memory_space<hbm>> -> memref<1x128xi32, #tpu.memory_space<hbm>>
      %dma_wait3A_84 = tpu.memref_squeeze %dma_wait3A_83 : memref<1x128xi32, #tpu.memory_space<hbm>> -> memref<128xi32, #tpu.memory_space<hbm>>
      %dma_wait3A_85 = arith.constant 0 : i32
      %dma_wait3A_86 = tpu.memref_slice %arg7[%run_scoped3A_13, %dma_wait3A_85] : memref<3x128xi32, #tpu.memory_space<vmem>> -> memref<1x128xi32, #tpu.memory_space<vmem>>
      %dma_wait3A_87 = tpu.memref_squeeze %dma_wait3A_86 : memref<1x128xi32, #tpu.memory_space<vmem>> -> memref<128xi32, #tpu.memory_space<vmem>>
      %dma_wait3A_88 = tpu.memref_slice %arg2[%run_scoped3A, %mul3A_12] : memref<2x320000xi32, #tpu.memory_space<hbm>> -> memref<1x128xi32, #tpu.memory_space<hbm>>
      %dma_wait3A_89 = tpu.memref_squeeze %dma_wait3A_88 : memref<1x128xi32, #tpu.memory_space<hbm>> -> memref<128xi32, #tpu.memory_space<hbm>>
      tpu.wait_dma2 semaphore(%run_scoped3A_70 : memref<!tpu.dma_semaphore, #tpu.memory_space<semaphore_mem>>) src(%dma_wait3A_89 : memref<128xi32, #tpu.memory_space<hbm>>) dst(%dma_wait3A_87 : memref<128xi32, #tpu.memory_space<vmem>>)
      tpu.yield
    }) : () -> ()
    %add3A_14 = arith.constant 128 : i32
    %add3A_15 = arith.addi %mul3A_12, %add3A_14 : i32
    %run_scoped3A_16 = arith.constant 0 : i32
    %run_scoped3A_17 = arith.constant 1 : i32
    "tpu.region"() ({
      %run_scoped3A_70 = tpu.sem_alloc : memref<!tpu.dma_semaphore, #tpu.memory_space<semaphore_mem>>
      %dma_start3A_71 = arith.constant 0 : i32
      %dma_start3A_72 = tpu.memref_slice %arg7[%run_scoped3A_17, %dma_start3A_71] : memref<3x128xi32, #tpu.memory_space<vmem>> -> memref<1x128xi32, #tpu.memory_space<vmem>>
      %dma_start3A_73 = tpu.memref_squeeze %dma_start3A_72 : memref<1x128xi32, #tpu.memory_space<vmem>> -> memref<128xi32, #tpu.memory_space<vmem>>
      %dma_start3A_74 = tpu.memref_slice %arg2[%run_scoped3A_16, %add3A_15] : memref<2x320000xi32, #tpu.memory_space<hbm>> -> memref<1x128xi32, #tpu.memory_space<hbm>>
      %dma_start3A_75 = tpu.memref_squeeze %dma_start3A_74 : memref<1x128xi32, #tpu.memory_space<hbm>> -> memref<128xi32, #tpu.memory_space<hbm>>
      %dma_start3A_76 = arith.constant 0 : i32
      %dma_start3A_77 = tpu.memref_slice %arg7[%run_scoped3A_17, %dma_start3A_76] : memref<3x128xi32, #tpu.memory_space<vmem>> -> memref<1x128xi32, #tpu.memory_space<vmem>>
      %dma_start3A_78 = tpu.memref_squeeze %dma_start3A_77 : memref<1x128xi32, #tpu.memory_space<vmem>> -> memref<128xi32, #tpu.memory_space<vmem>>
      %dma_start3A_79 = tpu.memref_slice %arg2[%run_scoped3A_16, %add3A_15] : memref<2x320000xi32, #tpu.memory_space<hbm>> -> memref<1x128xi32, #tpu.memory_space<hbm>>
      %dma_start3A_80 = tpu.memref_squeeze %dma_start3A_79 : memref<1x128xi32, #tpu.memory_space<hbm>> -> memref<128xi32, #tpu.memory_space<hbm>>
      tpu.enqueue_dma source(%dma_start3A_80 : memref<128xi32, #tpu.memory_space<hbm>>) target(%dma_start3A_78 : memref<128xi32, #tpu.memory_space<vmem>>) target_semaphore(%run_scoped3A_70 : memref<!tpu.dma_semaphore, #tpu.memory_space<semaphore_mem>>)
      %dma_wait3A = arith.constant 0 : i32
      %dma_wait3A_81 = tpu.memref_slice %arg7[%run_scoped3A_17, %dma_wait3A] : memref<3x128xi32, #tpu.memory_space<vmem>> -> memref<1x128xi32, #tpu.memory_space<vmem>>
      %dma_wait3A_82 = tpu.memref_squeeze %dma_wait3A_81 : memref<1x128xi32, #tpu.memory_space<vmem>> -> memref<128xi32, #tpu.memory_space<vmem>>
      %dma_wait3A_83 = tpu.memref_slice %arg2[%run_scoped3A_16, %add3A_15] : memref<2x320000xi32, #tpu.memory_space<hbm>> -> memref<1x128xi32, #tpu.memory_space<hbm>>
      %dma_wait3A_84 = tpu.memref_squeeze %dma_wait3A_83 : memref<1x128xi32, #tpu.memory_space<hbm>> -> memref<128xi32, #tpu.memory_space<hbm>>
      %dma_wait3A_85 = arith.constant 0 : i32
      %dma_wait3A_86 = tpu.memref_slice %arg7[%run_scoped3A_17, %dma_wait3A_85] : memref<3x128xi32, #tpu.memory_space<vmem>> -> memref<1x128xi32, #tpu.memory_space<vmem>>
      %dma_wait3A_87 = tpu.memref_squeeze %dma_wait3A_86 : memref<1x128xi32, #tpu.memory_space<vmem>> -> memref<128xi32, #tpu.memory_space<vmem>>
      %dma_wait3A_88 = tpu.memref_slice %arg2[%run_scoped3A_16, %add3A_15] : memref<2x320000xi32, #tpu.memory_space<hbm>> -> memref<1x128xi32, #tpu.memory_space<hbm>>
      %dma_wait3A_89 = tpu.memref_squeeze %dma_wait3A_88 : memref<1x128xi32, #tpu.memory_space<hbm>> -> memref<128xi32, #tpu.memory_space<hbm>>
      tpu.wait_dma2 semaphore(%run_scoped3A_70 : memref<!tpu.dma_semaphore, #tpu.memory_space<semaphore_mem>>) src(%dma_wait3A_89 : memref<128xi32, #tpu.memory_space<hbm>>) dst(%dma_wait3A_87 : memref<128xi32, #tpu.memory_space<vmem>>)
      tpu.yield
    }) : () -> ()
    %dma_start3A = arith.constant 0 : i32
    %dma_start3A_18 = arith.constant 0 : i32
    %dma_start3A_19 = arith.constant 0 : i32
    %dma_start3A_20 = arith.constant 0 : i32
    %dma_start3A_21 = tpu.memref_slice %arg9[%dma_start3A_18, %dma_start3A_19, %dma_start3A_20] : memref<2x128x128xf32, #tpu.memory_space<vmem>> -> memref<1x128x128xf32, #tpu.memory_space<vmem>>
    %dma_start3A_22 = tpu.memref_squeeze %dma_start3A_21 : memref<1x128x128xf32, #tpu.memory_space<vmem>> -> memref<128x128xf32, #tpu.memory_space<vmem>>
    %dma_start3A_23 = arith.constant 0 : i32
    %dma_start3A_24 = tpu.memref_slice %arg7[%dma_start3A, %dma_start3A_23] : memref<3x128xi32, #tpu.memory_space<vmem>> -> memref<1x128xi32, #tpu.memory_space<vmem>>
    %dma_start3A_25 = tpu.memref_squeeze %dma_start3A_24 : memref<1x128xi32, #tpu.memory_space<vmem>> -> memref<128xi32, #tpu.memory_space<vmem>>
    %dma_start3A_26 = arith.constant 0 : i32
    %dma_start3A_27 = arith.constant 0 : i32
    %dma_start3A_28 = tpu.memref_slice %arg4[%dma_start3A_26, %dma_start3A_27] : memref<10240x128xf32, #tpu.memory_space<hbm>> -> memref<10240x128xf32, #tpu.memory_space<hbm>>
    tpu.enqueue_indirect_dma source(%dma_start3A_28 : memref<10240x128xf32, #tpu.memory_space<hbm>>) target(%dma_start3A_22 : memref<128x128xf32, #tpu.memory_space<vmem>>) offsets(%dma_start3A_25 : memref<128xi32, #tpu.memory_space<vmem>>) semaphore(%arg14 : memref<!tpu.dma_semaphore, #tpu.memory_space<semaphore_mem>>)
    %dma_start3A_29 = arith.constant 1 : i32
    %dma_start3A_30 = arith.constant 1 : i32
    %dma_start3A_31 = arith.constant 0 : i32
    %dma_start3A_32 = arith.constant 0 : i32
    %dma_start3A_33 = tpu.memref_slice %arg9[%dma_start3A_30, %dma_start3A_31, %dma_start3A_32] : memref<2x128x128xf32, #tpu.memory_space<vmem>> -> memref<1x128x128xf32, #tpu.memory_space<vmem>>
    %dma_start3A_34 = tpu.memref_squeeze %dma_start3A_33 : memref<1x128x128xf32, #tpu.memory_space<vmem>> -> memref<128x128xf32, #tpu.memory_space<vmem>>
    %dma_start3A_35 = arith.constant 0 : i32
    %dma_start3A_36 = tpu.memref_slice %arg7[%dma_start3A_29, %dma_start3A_35] : memref<3x128xi32, #tpu.memory_space<vmem>> -> memref<1x128xi32, #tpu.memory_space<vmem>>
    %dma_start3A_37 = tpu.memref_squeeze %dma_start3A_36 : memref<1x128xi32, #tpu.memory_space<vmem>> -> memref<128xi32, #tpu.memory_space<vmem>>
    %dma_start3A_38 = arith.constant 0 : i32
    %dma_start3A_39 = arith.constant 0 : i32
    %dma_start3A_40 = tpu.memref_slice %arg4[%dma_start3A_38, %dma_start3A_39] : memref<10240x128xf32, #tpu.memory_space<hbm>> -> memref<10240x128xf32, #tpu.memory_space<hbm>>
    tpu.enqueue_indirect_dma source(%dma_start3A_40 : memref<10240x128xf32, #tpu.memory_space<hbm>>) target(%dma_start3A_34 : memref<128x128xf32, #tpu.memory_space<vmem>>) offsets(%dma_start3A_37 : memref<128xi32, #tpu.memory_space<vmem>>) semaphore(%arg15 : memref<!tpu.dma_semaphore, #tpu.memory_space<semaphore_mem>>)
    %add3A_41 = arith.constant 256 : i32
    %add3A_42 = arith.addi %mul3A_12, %add3A_41 : i32
    %dma_start3A_43 = arith.constant 0 : i32
    %dma_start3A_44 = arith.constant 2 : i32
    %dma_start3A_45 = arith.constant 0 : i32
    %dma_start3A_46 = tpu.memref_slice %arg7[%dma_start3A_44, %dma_start3A_45] : memref<3x128xi32, #tpu.memory_space<vmem>> -> memref<1x128xi32, #tpu.memory_space<vmem>>
    %dma_start3A_47 = tpu.memref_squeeze %dma_start3A_46 : memref<1x128xi32, #tpu.memory_space<vmem>> -> memref<128xi32, #tpu.memory_space<vmem>>
    %dma_start3A_48 = tpu.memref_slice %arg2[%dma_start3A_43, %add3A_42] : memref<2x320000xi32, #tpu.memory_space<hbm>> -> memref<1x128xi32, #tpu.memory_space<hbm>>
    %dma_start3A_49 = tpu.memref_squeeze %dma_start3A_48 : memref<1x128xi32, #tpu.memory_space<hbm>> -> memref<128xi32, #tpu.memory_space<hbm>>
    %dma_start3A_50 = arith.constant 0 : i32
    %dma_start3A_51 = tpu.memref_slice %arg7[%dma_start3A_44, %dma_start3A_50] : memref<3x128xi32, #tpu.memory_space<vmem>> -> memref<1x128xi32, #tpu.memory_space<vmem>>
    %dma_start3A_52 = tpu.memref_squeeze %dma_start3A_51 : memref<1x128xi32, #tpu.memory_space<vmem>> -> memref<128xi32, #tpu.memory_space<vmem>>
    %dma_start3A_53 = tpu.memref_slice %arg2[%dma_start3A_43, %add3A_42] : memref<2x320000xi32, #tpu.memory_space<hbm>> -> memref<1x128xi32, #tpu.memory_space<hbm>>
    %dma_start3A_54 = tpu.memref_squeeze %dma_start3A_53 : memref<1x128xi32, #tpu.memory_space<hbm>> -> memref<128xi32, #tpu.memory_space<hbm>>
    tpu.enqueue_dma source(%dma_start3A_54 : memref<128xi32, #tpu.memory_space<hbm>>) target(%dma_start3A_52 : memref<128xi32, #tpu.memory_space<vmem>>) target_semaphore(%arg13 : memref<!tpu.dma_semaphore, #tpu.memory_space<semaphore_mem>>)
    %scan3A = arith.constant 0 : i32
    %scan3A_55 = arith.constant 0 : i32
    %scan3A_56 = arith.constant 13 : i32
    %scan3A_57 = arith.addi %scan3A_55, %scan3A_56 : i32
    %scan3A_58 = arith.constant 1 : i32
    scf.for %scan3A_70 = %scan3A_55 to %scan3A_57 step %scan3A_58  : i32 {
      %mul3A_71 = arith.constant 6 : i32
      %mul3A_72 = arith.muli %mul3A_71, %scan3A_70 : i32
      %add3A_73 = arith.constant 0 : i32
      %add3A_74 = arith.addi %mul3A_72, %add3A_73 : i32
      %dma_wait3A = arith.constant 0 : i32
      %dma_wait3A_75 = arith.constant 0 : i32
      %dma_wait3A_76 = arith.constant 0 : i32
      %dma_wait3A_77 = tpu.memref_slice %arg9[%dma_wait3A, %dma_wait3A_75, %dma_wait3A_76] : memref<2x128x128xf32, #tpu.memory_space<vmem>> -> memref<1x128x128xf32, #tpu.memory_space<vmem>>
      %dma_wait3A_78 = tpu.memref_squeeze %dma_wait3A_77 : memref<1x128x128xf32, #tpu.memory_space<vmem>> -> memref<128x128xf32, #tpu.memory_space<vmem>>
      %dma_wait3A_79 = arith.constant 0 : i32
      %dma_wait3A_80 = arith.constant 0 : i32
      %dma_wait3A_81 = tpu.memref_slice %arg4[%dma_wait3A_79, %dma_wait3A_80] : memref<10240x128xf32, #tpu.memory_space<hbm>> -> memref<128x128xf32, #tpu.memory_space<hbm>>
      %dma_wait3A_82 = arith.constant 0 : i32
      %dma_wait3A_83 = arith.constant 0 : i32
      %dma_wait3A_84 = tpu.memref_slice %arg9[%dma_wait3A, %dma_wait3A_82, %dma_wait3A_83] : memref<2x128x128xf32, #tpu.memory_space<vmem>> -> memref<1x128x128xf32, #tpu.memory_space<vmem>>
      %dma_wait3A_85 = tpu.memref_squeeze %dma_wait3A_84 : memref<1x128x128xf32, #tpu.memory_space<vmem>> -> memref<128x128xf32, #tpu.memory_space<vmem>>
      %dma_wait3A_86 = arith.constant 0 : i32
      %dma_wait3A_87 = arith.constant 0 : i32
      %dma_wait3A_88 = tpu.memref_slice %arg4[%dma_wait3A_86, %dma_wait3A_87] : memref<10240x128xf32, #tpu.memory_space<hbm>> -> memref<128x128xf32, #tpu.memory_space<hbm>>
      tpu.wait_dma2 semaphore(%arg14 : memref<!tpu.dma_semaphore, #tpu.memory_space<semaphore_mem>>) src(%dma_wait3A_88 : memref<128x128xf32, #tpu.memory_space<hbm>>) dst(%dma_wait3A_85 : memref<128x128xf32, #tpu.memory_space<vmem>>)
      %run_scoped3A_89 = arith.constant 0 : i32
      "tpu.region"() ({
        %run_scoped3A_274 = tpu.sem_alloc : memref<!tpu.dma_semaphore, #tpu.memory_space<semaphore_mem>>
        %dma_start3A_275 = arith.constant 0 : i32
        %dma_start3A_276 = arith.constant 0 : i32
        %dma_start3A_277 = tpu.memref_slice %arg9[%run_scoped3A_89, %dma_start3A_275, %dma_start3A_276] : memref<2x128x128xf32, #tpu.memory_space<vmem>> -> memref<1x128x128xf32, #tpu.memory_space<vmem>>
        %dma_start3A_278 = tpu.memref_squeeze %dma_start3A_277 : memref<1x128x128xf32, #tpu.memory_space<vmem>> -> memref<128x128xf32, #tpu.memory_space<vmem>>
        %dma_start3A_279 = arith.constant 0 : i32
        %dma_start3A_280 = tpu.memref_slice %arg8[%add3A_74, %dma_start3A_279] : memref<79x128xi32, #tpu.memory_space<vmem>> -> memref<1x128xi32, #tpu.memory_space<vmem>>
        %dma_start3A_281 = tpu.memref_squeeze %dma_start3A_280 : memref<1x128xi32, #tpu.memory_space<vmem>> -> memref<128xi32, #tpu.memory_space<vmem>>
        %dma_start3A_282 = arith.constant 0 : i32
        %dma_start3A_283 = arith.constant 0 : i32
        %dma_start3A_284 = tpu.memref_slice %arg10[%dma_start3A_282, %dma_start3A_283] : memref<10240x128xf32, #tpu.memory_space<vmem_shared>> -> memref<10240x128xf32, #tpu.memory_space<vmem_shared>>
        tpu.enqueue_indirect_dma source(%dma_start3A_278 : memref<128x128xf32, #tpu.memory_space<vmem>>) target(%dma_start3A_284 : memref<10240x128xf32, #tpu.memory_space<vmem_shared>>) offsets(%dma_start3A_281 : memref<128xi32, #tpu.memory_space<vmem>>) semaphore(%run_scoped3A_274 : memref<!tpu.dma_semaphore, #tpu.memory_space<semaphore_mem>>) {add = true}
        %dma_wait3A_285 = arith.constant 0 : i32
        %dma_wait3A_286 = arith.constant 0 : i32
        %dma_wait3A_287 = tpu.memref_slice %arg9[%run_scoped3A_89, %dma_wait3A_285, %dma_wait3A_286] : memref<2x128x128xf32, #tpu.memory_space<vmem>> -> memref<1x128x128xf32, #tpu.memory_space<vmem>>
        %dma_wait3A_288 = tpu.memref_squeeze %dma_wait3A_287 : memref<1x128x128xf32, #tpu.memory_space<vmem>> -> memref<128x128xf32, #tpu.memory_space<vmem>>
        %dma_wait3A_289 = arith.constant 0 : i32
        %dma_wait3A_290 = tpu.memref_slice %arg8[%add3A_74, %dma_wait3A_289] : memref<79x128xi32, #tpu.memory_space<vmem>> -> memref<1x128xi32, #tpu.memory_space<vmem>>
        %dma_wait3A_291 = tpu.memref_squeeze %dma_wait3A_290 : memref<1x128xi32, #tpu.memory_space<vmem>> -> memref<128xi32, #tpu.memory_space<vmem>>
        %dma_wait3A_292 = arith.constant 0 : i32
        %dma_wait3A_293 = arith.constant 0 : i32
        %dma_wait3A_294 = tpu.memref_slice %arg10[%dma_wait3A_292, %dma_wait3A_293] : memref<10240x128xf32, #tpu.memory_space<vmem_shared>> -> memref<10240x128xf32, #tpu.memory_space<vmem_shared>>
        tpu.wait_indirect_dma semaphore(%run_scoped3A_274 : memref<!tpu.dma_semaphore, #tpu.memory_space<semaphore_mem>>) src(%dma_wait3A_288 : memref<128x128xf32, #tpu.memory_space<vmem>>) dst(%dma_wait3A_294 : memref<10240x128xf32, #tpu.memory_space<vmem_shared>>)
        tpu.yield
      }) : () -> ()
      %add3A_90 = arith.constant 2 : i32
      %add3A_91 = arith.addi %add3A_74, %add3A_90 : i32
      %lt3A_92 = arith.constant 78 : i32
      %lt3A_93 = arith.cmpi slt, %add3A_91, %lt3A_92 : i32
      %convert_element_type3A_94 = arith.extui %lt3A_93 : i1 to i32
      %cond3A_95 = arith.constant 0 : i32
      %cond3A_96 = arith.cmpi ne, %convert_element_type3A_94, %cond3A_95 : i32
      scf.if %cond3A_96 {
        %dma_wait3A_274 = arith.constant 0 : i32
        %dma_wait3A_275 = arith.constant 2 : i32
        %dma_wait3A_276 = arith.constant 0 : i32
        %dma_wait3A_277 = tpu.memref_slice %arg7[%dma_wait3A_275, %dma_wait3A_276] : memref<3x128xi32, #tpu.memory_space<vmem>> -> memref<1x128xi32, #tpu.memory_space<vmem>>
        %dma_wait3A_278 = tpu.memref_squeeze %dma_wait3A_277 : memref<1x128xi32, #tpu.memory_space<vmem>> -> memref<128xi32, #tpu.memory_space<vmem>>
        %dma_wait3A_279 = arith.constant 0 : i32
        %dma_wait3A_280 = tpu.memref_slice %arg2[%dma_wait3A_274, %dma_wait3A_279] : memref<2x320000xi32, #tpu.memory_space<hbm>> -> memref<1x128xi32, #tpu.memory_space<hbm>>
        %dma_wait3A_281 = tpu.memref_squeeze %dma_wait3A_280 : memref<1x128xi32, #tpu.memory_space<hbm>> -> memref<128xi32, #tpu.memory_space<hbm>>
        %dma_wait3A_282 = arith.constant 0 : i32
        %dma_wait3A_283 = tpu.memref_slice %arg7[%dma_wait3A_275, %dma_wait3A_282] : memref<3x128xi32, #tpu.memory_space<vmem>> -> memref<1x128xi32, #tpu.memory_space<vmem>>
        %dma_wait3A_284 = tpu.memref_squeeze %dma_wait3A_283 : memref<1x128xi32, #tpu.memory_space<vmem>> -> memref<128xi32, #tpu.memory_space<vmem>>
        %dma_wait3A_285 = arith.constant 0 : i32
        %dma_wait3A_286 = tpu.memref_slice %arg2[%dma_wait3A_274, %dma_wait3A_285] : memref<2x320000xi32, #tpu.memory_space<hbm>> -> memref<1x128xi32, #tpu.memory_space<hbm>>
        %dma_wait3A_287 = tpu.memref_squeeze %dma_wait3A_286 : memref<1x128xi32, #tpu.memory_space<hbm>> -> memref<128xi32, #tpu.memory_space<hbm>>
        tpu.wait_dma2 semaphore(%arg13 : memref<!tpu.dma_semaphore, #tpu.memory_space<semaphore_mem>>) src(%dma_wait3A_287 : memref<128xi32, #tpu.memory_space<hbm>>) dst(%dma_wait3A_284 : memref<128xi32, #tpu.memory_space<vmem>>)
        %dma_start3A_288 = arith.constant 2 : i32
        %dma_start3A_289 = arith.constant 0 : i32
        %dma_start3A_290 = arith.constant 0 : i32
        %dma_start3A_291 = arith.constant 0 : i32
        %dma_start3A_292 = tpu.memref_slice %arg9[%dma_start3A_289, %dma_start3A_290, %dma_start3A_291] : memref<2x128x128xf32, #tpu.memory_space<vmem>> -> memref<1x128x128xf32, #tpu.memory_space<vmem>>
        %dma_start3A_293 = tpu.memref_squeeze %dma_start3A_292 : memref<1x128x128xf32, #tpu.memory_space<vmem>> -> memref<128x128xf32, #tpu.memory_space<vmem>>
        %dma_start3A_294 = arith.constant 0 : i32
        %dma_start3A_295 = tpu.memref_slice %arg7[%dma_start3A_288, %dma_start3A_294] : memref<3x128xi32, #tpu.memory_space<vmem>> -> memref<1x128xi32, #tpu.memory_space<vmem>>
        %dma_start3A_296 = tpu.memref_squeeze %dma_start3A_295 : memref<1x128xi32, #tpu.memory_space<vmem>> -> memref<128xi32, #tpu.memory_space<vmem>>
        %dma_start3A_297 = arith.constant 0 : i32
        %dma_start3A_298 = arith.constant 0 : i32
        %dma_start3A_299 = tpu.memref_slice %arg4[%dma_start3A_297, %dma_start3A_298] : memref<10240x128xf32, #tpu.memory_space<hbm>> -> memref<10240x128xf32, #tpu.memory_space<hbm>>
        tpu.enqueue_indirect_dma source(%dma_start3A_299 : memref<10240x128xf32, #tpu.memory_space<hbm>>) target(%dma_start3A_293 : memref<128x128xf32, #tpu.memory_space<vmem>>) offsets(%dma_start3A_296 : memref<128xi32, #tpu.memory_space<vmem>>) semaphore(%arg14 : memref<!tpu.dma_semaphore, #tpu.memory_space<semaphore_mem>>)
      } else {
      }
      %add3A_97 = arith.constant 3 : i32
      %add3A_98 = arith.addi %add3A_74, %add3A_97 : i32
      %lt3A_99 = arith.constant 78 : i32
      %lt3A_100 = arith.cmpi slt, %add3A_98, %lt3A_99 : i32
      %convert_element_type3A_101 = arith.extui %lt3A_100 : i1 to i32
      %cond3A_102 = arith.constant 0 : i32
      %cond3A_103 = arith.cmpi ne, %convert_element_type3A_101, %cond3A_102 : i32
      scf.if %cond3A_103 {
        %add3A_274 = arith.constant 3 : i32
        %add3A_275 = arith.addi %add3A_74, %add3A_274 : i32
        %mul3A_276 = arith.constant 128 : i32
        %mul3A_277 = arith.muli %add3A_275, %mul3A_276 : i32
        %add3A_278 = arith.addi %mul3A_12, %mul3A_277 : i32
        %dma_start3A_279 = arith.constant 0 : i32
        %dma_start3A_280 = arith.constant 0 : i32
        %dma_start3A_281 = arith.constant 0 : i32
        %dma_start3A_282 = tpu.memref_slice %arg7[%dma_start3A_280, %dma_start3A_281] : memref<3x128xi32, #tpu.memory_space<vmem>> -> memref<1x128xi32, #tpu.memory_space<vmem>>
        %dma_start3A_283 = tpu.memref_squeeze %dma_start3A_282 : memref<1x128xi32, #tpu.memory_space<vmem>> -> memref<128xi32, #tpu.memory_space<vmem>>
        %dma_start3A_284 = tpu.memref_slice %arg2[%dma_start3A_279, %add3A_278] : memref<2x320000xi32, #tpu.memory_space<hbm>> -> memref<1x128xi32, #tpu.memory_space<hbm>>
        %dma_start3A_285 = tpu.memref_squeeze %dma_start3A_284 : memref<1x128xi32, #tpu.memory_space<hbm>> -> memref<128xi32, #tpu.memory_space<hbm>>
        %dma_start3A_286 = arith.constant 0 : i32
        %dma_start3A_287 = tpu.memref_slice %arg7[%dma_start3A_280, %dma_start3A_286] : memref<3x128xi32, #tpu.memory_space<vmem>> -> memref<1x128xi32, #tpu.memory_space<vmem>>
        %dma_start3A_288 = tpu.memref_squeeze %dma_start3A_287 : memref<1x128xi32, #tpu.memory_space<vmem>> -> memref<128xi32, #tpu.memory_space<vmem>>
        %dma_start3A_289 = tpu.memref_slice %arg2[%dma_start3A_279, %add3A_278] : memref<2x320000xi32, #tpu.memory_space<hbm>> -> memref<1x128xi32, #tpu.memory_space<hbm>>
        %dma_start3A_290 = tpu.memref_squeeze %dma_start3A_289 : memref<1x128xi32, #tpu.memory_space<hbm>> -> memref<128xi32, #tpu.memory_space<hbm>>
        tpu.enqueue_dma source(%dma_start3A_290 : memref<128xi32, #tpu.memory_space<hbm>>) target(%dma_start3A_288 : memref<128xi32, #tpu.memory_space<vmem>>) target_semaphore(%arg11 : memref<!tpu.dma_semaphore, #tpu.memory_space<semaphore_mem>>)
      } else {
      }
      %mul3A_104 = arith.constant 6 : i32
      %mul3A_105 = arith.muli %mul3A_104, %scan3A_70 : i32
      %add3A_106 = arith.constant 1 : i32
      %add3A_107 = arith.addi %mul3A_105, %add3A_106 : i32
      %dma_wait3A_108 = arith.constant 1 : i32
      %dma_wait3A_109 = arith.constant 0 : i32
      %dma_wait3A_110 = arith.constant 0 : i32
      %dma_wait3A_111 = tpu.memref_slice %arg9[%dma_wait3A_108, %dma_wait3A_109, %dma_wait3A_110] : memref<2x128x128xf32, #tpu.memory_space<vmem>> -> memref<1x128x128xf32, #tpu.memory_space<vmem>>
      %dma_wait3A_112 = tpu.memref_squeeze %dma_wait3A_111 : memref<1x128x128xf32, #tpu.memory_space<vmem>> -> memref<128x128xf32, #tpu.memory_space<vmem>>
      %dma_wait3A_113 = arith.constant 0 : i32
      %dma_wait3A_114 = arith.constant 0 : i32
      %dma_wait3A_115 = tpu.memref_slice %arg4[%dma_wait3A_113, %dma_wait3A_114] : memref<10240x128xf32, #tpu.memory_space<hbm>> -> memref<128x128xf32, #tpu.memory_space<hbm>>
      %dma_wait3A_116 = arith.constant 0 : i32
      %dma_wait3A_117 = arith.constant 0 : i32
      %dma_wait3A_118 = tpu.memref_slice %arg9[%dma_wait3A_108, %dma_wait3A_116, %dma_wait3A_117] : memref<2x128x128xf32, #tpu.memory_space<vmem>> -> memref<1x128x128xf32, #tpu.memory_space<vmem>>
      %dma_wait3A_119 = tpu.memref_squeeze %dma_wait3A_118 : memref<1x128x128xf32, #tpu.memory_space<vmem>> -> memref<128x128xf32, #tpu.memory_space<vmem>>
      %dma_wait3A_120 = arith.constant 0 : i32
      %dma_wait3A_121 = arith.constant 0 : i32
      %dma_wait3A_122 = tpu.memref_slice %arg4[%dma_wait3A_120, %dma_wait3A_121] : memref<10240x128xf32, #tpu.memory_space<hbm>> -> memref<128x128xf32, #tpu.memory_space<hbm>>
      tpu.wait_dma2 semaphore(%arg15 : memref<!tpu.dma_semaphore, #tpu.memory_space<semaphore_mem>>) src(%dma_wait3A_122 : memref<128x128xf32, #tpu.memory_space<hbm>>) dst(%dma_wait3A_119 : memref<128x128xf32, #tpu.memory_space<vmem>>)
      %run_scoped3A_123 = arith.constant 1 : i32
      "tpu.region"() ({
        %run_scoped3A_274 = tpu.sem_alloc : memref<!tpu.dma_semaphore, #tpu.memory_space<semaphore_mem>>
        %dma_start3A_275 = arith.constant 0 : i32
        %dma_start3A_276 = arith.constant 0 : i32
        %dma_start3A_277 = tpu.memref_slice %arg9[%run_scoped3A_123, %dma_start3A_275, %dma_start3A_276] : memref<2x128x128xf32, #tpu.memory_space<vmem>> -> memref<1x128x128xf32, #tpu.memory_space<vmem>>
        %dma_start3A_278 = tpu.memref_squeeze %dma_start3A_277 : memref<1x128x128xf32, #tpu.memory_space<vmem>> -> memref<128x128xf32, #tpu.memory_space<vmem>>
        %dma_start3A_279 = arith.constant 0 : i32
        %dma_start3A_280 = tpu.memref_slice %arg8[%add3A_107, %dma_start3A_279] : memref<79x128xi32, #tpu.memory_space<vmem>> -> memref<1x128xi32, #tpu.memory_space<vmem>>
        %dma_start3A_281 = tpu.memref_squeeze %dma_start3A_280 : memref<1x128xi32, #tpu.memory_space<vmem>> -> memref<128xi32, #tpu.memory_space<vmem>>
        %dma_start3A_282 = arith.constant 0 : i32
        %dma_start3A_283 = arith.constant 0 : i32
        %dma_start3A_284 = tpu.memref_slice %arg10[%dma_start3A_282, %dma_start3A_283] : memref<10240x128xf32, #tpu.memory_space<vmem_shared>> -> memref<10240x128xf32, #tpu.memory_space<vmem_shared>>
        tpu.enqueue_indirect_dma source(%dma_start3A_278 : memref<128x128xf32, #tpu.memory_space<vmem>>) target(%dma_start3A_284 : memref<10240x128xf32, #tpu.memory_space<vmem_shared>>) offsets(%dma_start3A_281 : memref<128xi32, #tpu.memory_space<vmem>>) semaphore(%run_scoped3A_274 : memref<!tpu.dma_semaphore, #tpu.memory_space<semaphore_mem>>) {add = true}
        %dma_wait3A_285 = arith.constant 0 : i32
        %dma_wait3A_286 = arith.constant 0 : i32
        %dma_wait3A_287 = tpu.memref_slice %arg9[%run_scoped3A_123, %dma_wait3A_285, %dma_wait3A_286] : memref<2x128x128xf32, #tpu.memory_space<vmem>> -> memref<1x128x128xf32, #tpu.memory_space<vmem>>
        %dma_wait3A_288 = tpu.memref_squeeze %dma_wait3A_287 : memref<1x128x128xf32, #tpu.memory_space<vmem>> -> memref<128x128xf32, #tpu.memory_space<vmem>>
        %dma_wait3A_289 = arith.constant 0 : i32
        %dma_wait3A_290 = tpu.memref_slice %arg8[%add3A_107, %dma_wait3A_289] : memref<79x128xi32, #tpu.memory_space<vmem>> -> memref<1x128xi32, #tpu.memory_space<vmem>>
        %dma_wait3A_291 = tpu.memref_squeeze %dma_wait3A_290 : memref<1x128xi32, #tpu.memory_space<vmem>> -> memref<128xi32, #tpu.memory_space<vmem>>
        %dma_wait3A_292 = arith.constant 0 : i32
        %dma_wait3A_293 = arith.constant 0 : i32
        %dma_wait3A_294 = tpu.memref_slice %arg10[%dma_wait3A_292, %dma_wait3A_293] : memref<10240x128xf32, #tpu.memory_space<vmem_shared>> -> memref<10240x128xf32, #tpu.memory_space<vmem_shared>>
        tpu.wait_indirect_dma semaphore(%run_scoped3A_274 : memref<!tpu.dma_semaphore, #tpu.memory_space<semaphore_mem>>) src(%dma_wait3A_288 : memref<128x128xf32, #tpu.memory_space<vmem>>) dst(%dma_wait3A_294 : memref<10240x128xf32, #tpu.memory_space<vmem_shared>>)
        tpu.yield
      }) : () -> ()
      %add3A_124 = arith.constant 2 : i32
      %add3A_125 = arith.addi %add3A_107, %add3A_124 : i32
      %lt3A_126 = arith.constant 78 : i32
      %lt3A_127 = arith.cmpi slt, %add3A_125, %lt3A_126 : i32
      %convert_element_type3A_128 = arith.extui %lt3A_127 : i1 to i32
      %cond3A_129 = arith.constant 0 : i32
      %cond3A_130 = arith.cmpi ne, %convert_element_type3A_128, %cond3A_129 : i32
      scf.if %cond3A_130 {
        %dma_wait3A_274 = arith.constant 0 : i32
        %dma_wait3A_275 = arith.constant 0 : i32
        %dma_wait3A_276 = arith.constant 0 : i32
        %dma_wait3A_277 = tpu.memref_slice %arg7[%dma_wait3A_275, %dma_wait3A_276] : memref<3x128xi32, #tpu.memory_space<vmem>> -> memref<1x128xi32, #tpu.memory_space<vmem>>
        %dma_wait3A_278 = tpu.memref_squeeze %dma_wait3A_277 : memref<1x128xi32, #tpu.memory_space<vmem>> -> memref<128xi32, #tpu.memory_space<vmem>>
        %dma_wait3A_279 = arith.constant 0 : i32
        %dma_wait3A_280 = tpu.memref_slice %arg2[%dma_wait3A_274, %dma_wait3A_279] : memref<2x320000xi32, #tpu.memory_space<hbm>> -> memref<1x128xi32, #tpu.memory_space<hbm>>
        %dma_wait3A_281 = tpu.memref_squeeze %dma_wait3A_280 : memref<1x128xi32, #tpu.memory_space<hbm>> -> memref<128xi32, #tpu.memory_space<hbm>>
        %dma_wait3A_282 = arith.constant 0 : i32
        %dma_wait3A_283 = tpu.memref_slice %arg7[%dma_wait3A_275, %dma_wait3A_282] : memref<3x128xi32, #tpu.memory_space<vmem>> -> memref<1x128xi32, #tpu.memory_space<vmem>>
        %dma_wait3A_284 = tpu.memref_squeeze %dma_wait3A_283 : memref<1x128xi32, #tpu.memory_space<vmem>> -> memref<128xi32, #tpu.memory_space<vmem>>
        %dma_wait3A_285 = arith.constant 0 : i32
        %dma_wait3A_286 = tpu.memref_slice %arg2[%dma_wait3A_274, %dma_wait3A_285] : memref<2x320000xi32, #tpu.memory_space<hbm>> -> memref<1x128xi32, #tpu.memory_space<hbm>>
        %dma_wait3A_287 = tpu.memref_squeeze %dma_wait3A_286 : memref<1x128xi32, #tpu.memory_space<hbm>> -> memref<128xi32, #tpu.memory_space<hbm>>
        tpu.wait_dma2 semaphore(%arg11 : memref<!tpu.dma_semaphore, #tpu.memory_space<semaphore_mem>>) src(%dma_wait3A_287 : memref<128xi32, #tpu.memory_space<hbm>>) dst(%dma_wait3A_284 : memref<128xi32, #tpu.memory_space<vmem>>)
        %dma_start3A_288 = arith.constant 0 : i32
        %dma_start3A_289 = arith.constant 1 : i32
        %dma_start3A_290 = arith.constant 0 : i32
        %dma_start3A_291 = arith.constant 0 : i32
        %dma_start3A_292 = tpu.memref_slice %arg9[%dma_start3A_289, %dma_start3A_290, %dma_start3A_291] : memref<2x128x128xf32, #tpu.memory_space<vmem>> -> memref<1x128x128xf32, #tpu.memory_space<vmem>>
        %dma_start3A_293 = tpu.memref_squeeze %dma_start3A_292 : memref<1x128x128xf32, #tpu.memory_space<vmem>> -> memref<128x128xf32, #tpu.memory_space<vmem>>
        %dma_start3A_294 = arith.constant 0 : i32
        %dma_start3A_295 = tpu.memref_slice %arg7[%dma_start3A_288, %dma_start3A_294] : memref<3x128xi32, #tpu.memory_space<vmem>> -> memref<1x128xi32, #tpu.memory_space<vmem>>
        %dma_start3A_296 = tpu.memref_squeeze %dma_start3A_295 : memref<1x128xi32, #tpu.memory_space<vmem>> -> memref<128xi32, #tpu.memory_space<vmem>>
        %dma_start3A_297 = arith.constant 0 : i32
        %dma_start3A_298 = arith.constant 0 : i32
        %dma_start3A_299 = tpu.memref_slice %arg4[%dma_start3A_297, %dma_start3A_298] : memref<10240x128xf32, #tpu.memory_space<hbm>> -> memref<10240x128xf32, #tpu.memory_space<hbm>>
        tpu.enqueue_indirect_dma source(%dma_start3A_299 : memref<10240x128xf32, #tpu.memory_space<hbm>>) target(%dma_start3A_293 : memref<128x128xf32, #tpu.memory_space<vmem>>) offsets(%dma_start3A_296 : memref<128xi32, #tpu.memory_space<vmem>>) semaphore(%arg15 : memref<!tpu.dma_semaphore, #tpu.memory_space<semaphore_mem>>)
      } else {
      }
      %add3A_131 = arith.constant 3 : i32
      %add3A_132 = arith.addi %add3A_107, %add3A_131 : i32
      %lt3A_133 = arith.constant 78 : i32
      %lt3A_134 = arith.cmpi slt, %add3A_132, %lt3A_133 : i32
      %convert_element_type3A_135 = arith.extui %lt3A_134 : i1 to i32
      %cond3A_136 = arith.constant 0 : i32
      %cond3A_137 = arith.cmpi ne, %convert_element_type3A_135, %cond3A_136 : i32
      scf.if %cond3A_137 {
        %add3A_274 = arith.constant 3 : i32
        %add3A_275 = arith.addi %add3A_107, %add3A_274 : i32
        %mul3A_276 = arith.constant 128 : i32
        %mul3A_277 = arith.muli %add3A_275, %mul3A_276 : i32
        %add3A_278 = arith.addi %mul3A_12, %mul3A_277 : i32
        %dma_start3A_279 = arith.constant 0 : i32
        %dma_start3A_280 = arith.constant 1 : i32
        %dma_start3A_281 = arith.constant 0 : i32
        %dma_start3A_282 = tpu.memref_slice %arg7[%dma_start3A_280, %dma_start3A_281] : memref<3x128xi32, #tpu.memory_space<vmem>> -> memref<1x128xi32, #tpu.memory_space<vmem>>
        %dma_start3A_283 = tpu.memref_squeeze %dma_start3A_282 : memref<1x128xi32, #tpu.memory_space<vmem>> -> memref<128xi32, #tpu.memory_space<vmem>>
        %dma_start3A_284 = tpu.memref_slice %arg2[%dma_start3A_279, %add3A_278] : memref<2x320000xi32, #tpu.memory_space<hbm>> -> memref<1x128xi32, #tpu.memory_space<hbm>>
        %dma_start3A_285 = tpu.memref_squeeze %dma_start3A_284 : memref<1x128xi32, #tpu.memory_space<hbm>> -> memref<128xi32, #tpu.memory_space<hbm>>
        %dma_start3A_286 = arith.constant 0 : i32
        %dma_start3A_287 = tpu.memref_slice %arg7[%dma_start3A_280, %dma_start3A_286] : memref<3x128xi32, #tpu.memory_space<vmem>> -> memref<1x128xi32, #tpu.memory_space<vmem>>
        %dma_start3A_288 = tpu.memref_squeeze %dma_start3A_287 : memref<1x128xi32, #tpu.memory_space<vmem>> -> memref<128xi32, #tpu.memory_space<vmem>>
        %dma_start3A_289 = tpu.memref_slice %arg2[%dma_start3A_279, %add3A_278] : memref<2x320000xi32, #tpu.memory_space<hbm>> -> memref<1x128xi32, #tpu.memory_space<hbm>>
        %dma_start3A_290 = tpu.memref_squeeze %dma_start3A_289 : memref<1x128xi32, #tpu.memory_space<hbm>> -> memref<128xi32, #tpu.memory_space<hbm>>
        tpu.enqueue_dma source(%dma_start3A_290 : memref<128xi32, #tpu.memory_space<hbm>>) target(%dma_start3A_288 : memref<128xi32, #tpu.memory_space<vmem>>) target_semaphore(%arg12 : memref<!tpu.dma_semaphore, #tpu.memory_space<semaphore_mem>>)
      } else {
      }
      %mul3A_138 = arith.constant 6 : i32
      %mul3A_139 = arith.muli %mul3A_138, %scan3A_70 : i32
      %add3A_140 = arith.constant 2 : i32
      %add3A_141 = arith.addi %mul3A_139, %add3A_140 : i32
      %dma_wait3A_142 = arith.constant 0 : i32
      %dma_wait3A_143 = arith.constant 0 : i32
      %dma_wait3A_144 = arith.constant 0 : i32
      %dma_wait3A_145 = tpu.memref_slice %arg9[%dma_wait3A_142, %dma_wait3A_143, %dma_wait3A_144] : memref<2x128x128xf32, #tpu.memory_space<vmem>> -> memref<1x128x128xf32, #tpu.memory_space<vmem>>
      %dma_wait3A_146 = tpu.memref_squeeze %dma_wait3A_145 : memref<1x128x128xf32, #tpu.memory_space<vmem>> -> memref<128x128xf32, #tpu.memory_space<vmem>>
      %dma_wait3A_147 = arith.constant 0 : i32
      %dma_wait3A_148 = arith.constant 0 : i32
      %dma_wait3A_149 = tpu.memref_slice %arg4[%dma_wait3A_147, %dma_wait3A_148] : memref<10240x128xf32, #tpu.memory_space<hbm>> -> memref<128x128xf32, #tpu.memory_space<hbm>>
      %dma_wait3A_150 = arith.constant 0 : i32
      %dma_wait3A_151 = arith.constant 0 : i32
      %dma_wait3A_152 = tpu.memref_slice %arg9[%dma_wait3A_142, %dma_wait3A_150, %dma_wait3A_151] : memref<2x128x128xf32, #tpu.memory_space<vmem>> -> memref<1x128x128xf32, #tpu.memory_space<vmem>>
      %dma_wait3A_153 = tpu.memref_squeeze %dma_wait3A_152 : memref<1x128x128xf32, #tpu.memory_space<vmem>> -> memref<128x128xf32, #tpu.memory_space<vmem>>
      %dma_wait3A_154 = arith.constant 0 : i32
      %dma_wait3A_155 = arith.constant 0 : i32
      %dma_wait3A_156 = tpu.memref_slice %arg4[%dma_wait3A_154, %dma_wait3A_155] : memref<10240x128xf32, #tpu.memory_space<hbm>> -> memref<128x128xf32, #tpu.memory_space<hbm>>
      tpu.wait_dma2 semaphore(%arg14 : memref<!tpu.dma_semaphore, #tpu.memory_space<semaphore_mem>>) src(%dma_wait3A_156 : memref<128x128xf32, #tpu.memory_space<hbm>>) dst(%dma_wait3A_153 : memref<128x128xf32, #tpu.memory_space<vmem>>)
      %run_scoped3A_157 = arith.constant 0 : i32
      "tpu.region"() ({
        %run_scoped3A_274 = tpu.sem_alloc : memref<!tpu.dma_semaphore, #tpu.memory_space<semaphore_mem>>
        %dma_start3A_275 = arith.constant 0 : i32
        %dma_start3A_276 = arith.constant 0 : i32
        %dma_start3A_277 = tpu.memref_slice %arg9[%run_scoped3A_157, %dma_start3A_275, %dma_start3A_276] : memref<2x128x128xf32, #tpu.memory_space<vmem>> -> memref<1x128x128xf32, #tpu.memory_space<vmem>>
        %dma_start3A_278 = tpu.memref_squeeze %dma_start3A_277 : memref<1x128x128xf32, #tpu.memory_space<vmem>> -> memref<128x128xf32, #tpu.memory_space<vmem>>
        %dma_start3A_279 = arith.constant 0 : i32
        %dma_start3A_280 = tpu.memref_slice %arg8[%add3A_141, %dma_start3A_279] : memref<79x128xi32, #tpu.memory_space<vmem>> -> memref<1x128xi32, #tpu.memory_space<vmem>>
        %dma_start3A_281 = tpu.memref_squeeze %dma_start3A_280 : memref<1x128xi32, #tpu.memory_space<vmem>> -> memref<128xi32, #tpu.memory_space<vmem>>
        %dma_start3A_282 = arith.constant 0 : i32
        %dma_start3A_283 = arith.constant 0 : i32
        %dma_start3A_284 = tpu.memref_slice %arg10[%dma_start3A_282, %dma_start3A_283] : memref<10240x128xf32, #tpu.memory_space<vmem_shared>> -> memref<10240x128xf32, #tpu.memory_space<vmem_shared>>
        tpu.enqueue_indirect_dma source(%dma_start3A_278 : memref<128x128xf32, #tpu.memory_space<vmem>>) target(%dma_start3A_284 : memref<10240x128xf32, #tpu.memory_space<vmem_shared>>) offsets(%dma_start3A_281 : memref<128xi32, #tpu.memory_space<vmem>>) semaphore(%run_scoped3A_274 : memref<!tpu.dma_semaphore, #tpu.memory_space<semaphore_mem>>) {add = true}
        %dma_wait3A_285 = arith.constant 0 : i32
        %dma_wait3A_286 = arith.constant 0 : i32
        %dma_wait3A_287 = tpu.memref_slice %arg9[%run_scoped3A_157, %dma_wait3A_285, %dma_wait3A_286] : memref<2x128x128xf32, #tpu.memory_space<vmem>> -> memref<1x128x128xf32, #tpu.memory_space<vmem>>
        %dma_wait3A_288 = tpu.memref_squeeze %dma_wait3A_287 : memref<1x128x128xf32, #tpu.memory_space<vmem>> -> memref<128x128xf32, #tpu.memory_space<vmem>>
        %dma_wait3A_289 = arith.constant 0 : i32
        %dma_wait3A_290 = tpu.memref_slice %arg8[%add3A_141, %dma_wait3A_289] : memref<79x128xi32, #tpu.memory_space<vmem>> -> memref<1x128xi32, #tpu.memory_space<vmem>>
        %dma_wait3A_291 = tpu.memref_squeeze %dma_wait3A_290 : memref<1x128xi32, #tpu.memory_space<vmem>> -> memref<128xi32, #tpu.memory_space<vmem>>
        %dma_wait3A_292 = arith.constant 0 : i32
        %dma_wait3A_293 = arith.constant 0 : i32
        %dma_wait3A_294 = tpu.memref_slice %arg10[%dma_wait3A_292, %dma_wait3A_293] : memref<10240x128xf32, #tpu.memory_space<vmem_shared>> -> memref<10240x128xf32, #tpu.memory_space<vmem_shared>>
        tpu.wait_indirect_dma semaphore(%run_scoped3A_274 : memref<!tpu.dma_semaphore, #tpu.memory_space<semaphore_mem>>) src(%dma_wait3A_288 : memref<128x128xf32, #tpu.memory_space<vmem>>) dst(%dma_wait3A_294 : memref<10240x128xf32, #tpu.memory_space<vmem_shared>>)
        tpu.yield
      }) : () -> ()
      %add3A_158 = arith.constant 2 : i32
      %add3A_159 = arith.addi %add3A_141, %add3A_158 : i32
      %lt3A_160 = arith.constant 78 : i32
      %lt3A_161 = arith.cmpi slt, %add3A_159, %lt3A_160 : i32
      %convert_element_type3A_162 = arith.extui %lt3A_161 : i1 to i32
      %cond3A_163 = arith.constant 0 : i32
      %cond3A_164 = arith.cmpi ne, %convert_element_type3A_162, %cond3A_163 : i32
      scf.if %cond3A_164 {
        %dma_wait3A_274 = arith.constant 0 : i32
        %dma_wait3A_275 = arith.constant 1 : i32
        %dma_wait3A_276 = arith.constant 0 : i32
        %dma_wait3A_277 = tpu.memref_slice %arg7[%dma_wait3A_275, %dma_wait3A_276] : memref<3x128xi32, #tpu.memory_space<vmem>> -> memref<1x128xi32, #tpu.memory_space<vmem>>
        %dma_wait3A_278 = tpu.memref_squeeze %dma_wait3A_277 : memref<1x128xi32, #tpu.memory_space<vmem>> -> memref<128xi32, #tpu.memory_space<vmem>>
        %dma_wait3A_279 = arith.constant 0 : i32
        %dma_wait3A_280 = tpu.memref_slice %arg2[%dma_wait3A_274, %dma_wait3A_279] : memref<2x320000xi32, #tpu.memory_space<hbm>> -> memref<1x128xi32, #tpu.memory_space<hbm>>
        %dma_wait3A_281 = tpu.memref_squeeze %dma_wait3A_280 : memref<1x128xi32, #tpu.memory_space<hbm>> -> memref<128xi32, #tpu.memory_space<hbm>>
        %dma_wait3A_282 = arith.constant 0 : i32
        %dma_wait3A_283 = tpu.memref_slice %arg7[%dma_wait3A_275, %dma_wait3A_282] : memref<3x128xi32, #tpu.memory_space<vmem>> -> memref<1x128xi32, #tpu.memory_space<vmem>>
        %dma_wait3A_284 = tpu.memref_squeeze %dma_wait3A_283 : memref<1x128xi32, #tpu.memory_space<vmem>> -> memref<128xi32, #tpu.memory_space<vmem>>
        %dma_wait3A_285 = arith.constant 0 : i32
        %dma_wait3A_286 = tpu.memref_slice %arg2[%dma_wait3A_274, %dma_wait3A_285] : memref<2x320000xi32, #tpu.memory_space<hbm>> -> memref<1x128xi32, #tpu.memory_space<hbm>>
        %dma_wait3A_287 = tpu.memref_squeeze %dma_wait3A_286 : memref<1x128xi32, #tpu.memory_space<hbm>> -> memref<128xi32, #tpu.memory_space<hbm>>
        tpu.wait_dma2 semaphore(%arg12 : memref<!tpu.dma_semaphore, #tpu.memory_space<semaphore_mem>>) src(%dma_wait3A_287 : memref<128xi32, #tpu.memory_space<hbm>>) dst(%dma_wait3A_284 : memref<128xi32, #tpu.memory_space<vmem>>)
        %dma_start3A_288 = arith.constant 1 : i32
        %dma_start3A_289 = arith.constant 0 : i32
        %dma_start3A_290 = arith.constant 0 : i32
        %dma_start3A_291 = arith.constant 0 : i32
        %dma_start3A_292 = tpu.memref_slice %arg9[%dma_start3A_289, %dma_start3A_290, %dma_start3A_291] : memref<2x128x128xf32, #tpu.memory_space<vmem>> -> memref<1x128x128xf32, #tpu.memory_space<vmem>>
        %dma_start3A_293 = tpu.memref_squeeze %dma_start3A_292 : memref<1x128x128xf32, #tpu.memory_space<vmem>> -> memref<128x128xf32, #tpu.memory_space<vmem>>
        %dma_start3A_294 = arith.constant 0 : i32
        %dma_start3A_295 = tpu.memref_slice %arg7[%dma_start3A_288, %dma_start3A_294] : memref<3x128xi32, #tpu.memory_space<vmem>> -> memref<1x128xi32, #tpu.memory_space<vmem>>
        %dma_start3A_296 = tpu.memref_squeeze %dma_start3A_295 : memref<1x128xi32, #tpu.memory_space<vmem>> -> memref<128xi32, #tpu.memory_space<vmem>>
        %dma_start3A_297 = arith.constant 0 : i32
        %dma_start3A_298 = arith.constant 0 : i32
        %dma_start3A_299 = tpu.memref_slice %arg4[%dma_start3A_297, %dma_start3A_298] : memref<10240x128xf32, #tpu.memory_space<hbm>> -> memref<10240x128xf32, #tpu.memory_space<hbm>>
        tpu.enqueue_indirect_dma source(%dma_start3A_299 : memref<10240x128xf32, #tpu.memory_space<hbm>>) target(%dma_start3A_293 : memref<128x128xf32, #tpu.memory_space<vmem>>) offsets(%dma_start3A_296 : memref<128xi32, #tpu.memory_space<vmem>>) semaphore(%arg14 : memref<!tpu.dma_semaphore, #tpu.memory_space<semaphore_mem>>)
      } else {
      }
      %add3A_165 = arith.constant 3 : i32
      %add3A_166 = arith.addi %add3A_141, %add3A_165 : i32
      %lt3A_167 = arith.constant 78 : i32
      %lt3A_168 = arith.cmpi slt, %add3A_166, %lt3A_167 : i32
      %convert_element_type3A_169 = arith.extui %lt3A_168 : i1 to i32
      %cond3A_170 = arith.constant 0 : i32
      %cond3A_171 = arith.cmpi ne, %convert_element_type3A_169, %cond3A_170 : i32
      scf.if %cond3A_171 {
        %add3A_274 = arith.constant 3 : i32
        %add3A_275 = arith.addi %add3A_141, %add3A_274 : i32
        %mul3A_276 = arith.constant 128 : i32
        %mul3A_277 = arith.muli %add3A_275, %mul3A_276 : i32
        %add3A_278 = arith.addi %mul3A_12, %mul3A_277 : i32
        %dma_start3A_279 = arith.constant 0 : i32
        %dma_start3A_280 = arith.constant 2 : i32
        %dma_start3A_281 = arith.constant 0 : i32
        %dma_start3A_282 = tpu.memref_slice %arg7[%dma_start3A_280, %dma_start3A_281] : memref<3x128xi32, #tpu.memory_space<vmem>> -> memref<1x128xi32, #tpu.memory_space<vmem>>
        %dma_start3A_283 = tpu.memref_squeeze %dma_start3A_282 : memref<1x128xi32, #tpu.memory_space<vmem>> -> memref<128xi32, #tpu.memory_space<vmem>>
        %dma_start3A_284 = tpu.memref_slice %arg2[%dma_start3A_279, %add3A_278] : memref<2x320000xi32, #tpu.memory_space<hbm>> -> memref<1x128xi32, #tpu.memory_space<hbm>>
        %dma_start3A_285 = tpu.memref_squeeze %dma_start3A_284 : memref<1x128xi32, #tpu.memory_space<hbm>> -> memref<128xi32, #tpu.memory_space<hbm>>
        %dma_start3A_286 = arith.constant 0 : i32
        %dma_start3A_287 = tpu.memref_slice %arg7[%dma_start3A_280, %dma_start3A_286] : memref<3x128xi32, #tpu.memory_space<vmem>> -> memref<1x128xi32, #tpu.memory_space<vmem>>
        %dma_start3A_288 = tpu.memref_squeeze %dma_start3A_287 : memref<1x128xi32, #tpu.memory_space<vmem>> -> memref<128xi32, #tpu.memory_space<vmem>>
        %dma_start3A_289 = tpu.memref_slice %arg2[%dma_start3A_279, %add3A_278] : memref<2x320000xi32, #tpu.memory_space<hbm>> -> memref<1x128xi32, #tpu.memory_space<hbm>>
        %dma_start3A_290 = tpu.memref_squeeze %dma_start3A_289 : memref<1x128xi32, #tpu.memory_space<hbm>> -> memref<128xi32, #tpu.memory_space<hbm>>
        tpu.enqueue_dma source(%dma_start3A_290 : memref<128xi32, #tpu.memory_space<hbm>>) target(%dma_start3A_288 : memref<128xi32, #tpu.memory_space<vmem>>) target_semaphore(%arg13 : memref<!tpu.dma_semaphore, #tpu.memory_space<semaphore_mem>>)
      } else {
      }
      %mul3A_172 = arith.constant 6 : i32
      %mul3A_173 = arith.muli %mul3A_172, %scan3A_70 : i32
      %add3A_174 = arith.constant 3 : i32
      %add3A_175 = arith.addi %mul3A_173, %add3A_174 : i32
      %dma_wait3A_176 = arith.constant 1 : i32
      %dma_wait3A_177 = arith.constant 0 : i32
      %dma_wait3A_178 = arith.constant 0 : i32
      %dma_wait3A_179 = tpu.memref_slice %arg9[%dma_wait3A_176, %dma_wait3A_177, %dma_wait3A_178] : memref<2x128x128xf32, #tpu.memory_space<vmem>> -> memref<1x128x128xf32, #tpu.memory_space<vmem>>
      %dma_wait3A_180 = tpu.memref_squeeze %dma_wait3A_179 : memref<1x128x128xf32, #tpu.memory_space<vmem>> -> memref<128x128xf32, #tpu.memory_space<vmem>>
      %dma_wait3A_181 = arith.constant 0 : i32
      %dma_wait3A_182 = arith.constant 0 : i32
      %dma_wait3A_183 = tpu.memref_slice %arg4[%dma_wait3A_181, %dma_wait3A_182] : memref<10240x128xf32, #tpu.memory_space<hbm>> -> memref<128x128xf32, #tpu.memory_space<hbm>>
      %dma_wait3A_184 = arith.constant 0 : i32
      %dma_wait3A_185 = arith.constant 0 : i32
      %dma_wait3A_186 = tpu.memref_slice %arg9[%dma_wait3A_176, %dma_wait3A_184, %dma_wait3A_185] : memref<2x128x128xf32, #tpu.memory_space<vmem>> -> memref<1x128x128xf32, #tpu.memory_space<vmem>>
      %dma_wait3A_187 = tpu.memref_squeeze %dma_wait3A_186 : memref<1x128x128xf32, #tpu.memory_space<vmem>> -> memref<128x128xf32, #tpu.memory_space<vmem>>
      %dma_wait3A_188 = arith.constant 0 : i32
      %dma_wait3A_189 = arith.constant 0 : i32
      %dma_wait3A_190 = tpu.memref_slice %arg4[%dma_wait3A_188, %dma_wait3A_189] : memref<10240x128xf32, #tpu.memory_space<hbm>> -> memref<128x128xf32, #tpu.memory_space<hbm>>
      tpu.wait_dma2 semaphore(%arg15 : memref<!tpu.dma_semaphore, #tpu.memory_space<semaphore_mem>>) src(%dma_wait3A_190 : memref<128x128xf32, #tpu.memory_space<hbm>>) dst(%dma_wait3A_187 : memref<128x128xf32, #tpu.memory_space<vmem>>)
      %run_scoped3A_191 = arith.constant 1 : i32
      "tpu.region"() ({
        %run_scoped3A_274 = tpu.sem_alloc : memref<!tpu.dma_semaphore, #tpu.memory_space<semaphore_mem>>
        %dma_start3A_275 = arith.constant 0 : i32
        %dma_start3A_276 = arith.constant 0 : i32
        %dma_start3A_277 = tpu.memref_slice %arg9[%run_scoped3A_191, %dma_start3A_275, %dma_start3A_276] : memref<2x128x128xf32, #tpu.memory_space<vmem>> -> memref<1x128x128xf32, #tpu.memory_space<vmem>>
        %dma_start3A_278 = tpu.memref_squeeze %dma_start3A_277 : memref<1x128x128xf32, #tpu.memory_space<vmem>> -> memref<128x128xf32, #tpu.memory_space<vmem>>
        %dma_start3A_279 = arith.constant 0 : i32
        %dma_start3A_280 = tpu.memref_slice %arg8[%add3A_175, %dma_start3A_279] : memref<79x128xi32, #tpu.memory_space<vmem>> -> memref<1x128xi32, #tpu.memory_space<vmem>>
        %dma_start3A_281 = tpu.memref_squeeze %dma_start3A_280 : memref<1x128xi32, #tpu.memory_space<vmem>> -> memref<128xi32, #tpu.memory_space<vmem>>
        %dma_start3A_282 = arith.constant 0 : i32
        %dma_start3A_283 = arith.constant 0 : i32
        %dma_start3A_284 = tpu.memref_slice %arg10[%dma_start3A_282, %dma_start3A_283] : memref<10240x128xf32, #tpu.memory_space<vmem_shared>> -> memref<10240x128xf32, #tpu.memory_space<vmem_shared>>
        tpu.enqueue_indirect_dma source(%dma_start3A_278 : memref<128x128xf32, #tpu.memory_space<vmem>>) target(%dma_start3A_284 : memref<10240x128xf32, #tpu.memory_space<vmem_shared>>) offsets(%dma_start3A_281 : memref<128xi32, #tpu.memory_space<vmem>>) semaphore(%run_scoped3A_274 : memref<!tpu.dma_semaphore, #tpu.memory_space<semaphore_mem>>) {add = true}
        %dma_wait3A_285 = arith.constant 0 : i32
        %dma_wait3A_286 = arith.constant 0 : i32
        %dma_wait3A_287 = tpu.memref_slice %arg9[%run_scoped3A_191, %dma_wait3A_285, %dma_wait3A_286] : memref<2x128x128xf32, #tpu.memory_space<vmem>> -> memref<1x128x128xf32, #tpu.memory_space<vmem>>
        %dma_wait3A_288 = tpu.memref_squeeze %dma_wait3A_287 : memref<1x128x128xf32, #tpu.memory_space<vmem>> -> memref<128x128xf32, #tpu.memory_space<vmem>>
        %dma_wait3A_289 = arith.constant 0 : i32
        %dma_wait3A_290 = tpu.memref_slice %arg8[%add3A_175, %dma_wait3A_289] : memref<79x128xi32, #tpu.memory_space<vmem>> -> memref<1x128xi32, #tpu.memory_space<vmem>>
        %dma_wait3A_291 = tpu.memref_squeeze %dma_wait3A_290 : memref<1x128xi32, #tpu.memory_space<vmem>> -> memref<128xi32, #tpu.memory_space<vmem>>
        %dma_wait3A_292 = arith.constant 0 : i32
        %dma_wait3A_293 = arith.constant 0 : i32
        %dma_wait3A_294 = tpu.memref_slice %arg10[%dma_wait3A_292, %dma_wait3A_293] : memref<10240x128xf32, #tpu.memory_space<vmem_shared>> -> memref<10240x128xf32, #tpu.memory_space<vmem_shared>>
        tpu.wait_indirect_dma semaphore(%run_scoped3A_274 : memref<!tpu.dma_semaphore, #tpu.memory_space<semaphore_mem>>) src(%dma_wait3A_288 : memref<128x128xf32, #tpu.memory_space<vmem>>) dst(%dma_wait3A_294 : memref<10240x128xf32, #tpu.memory_space<vmem_shared>>)
        tpu.yield
      }) : () -> ()
      %add3A_192 = arith.constant 2 : i32
      %add3A_193 = arith.addi %add3A_175, %add3A_192 : i32
      %lt3A_194 = arith.constant 78 : i32
      %lt3A_195 = arith.cmpi slt, %add3A_193, %lt3A_194 : i32
      %convert_element_type3A_196 = arith.extui %lt3A_195 : i1 to i32
      %cond3A_197 = arith.constant 0 : i32
      %cond3A_198 = arith.cmpi ne, %convert_element_type3A_196, %cond3A_197 : i32
      scf.if %cond3A_198 {
        %dma_wait3A_274 = arith.constant 0 : i32
        %dma_wait3A_275 = arith.constant 2 : i32
        %dma_wait3A_276 = arith.constant 0 : i32
        %dma_wait3A_277 = tpu.memref_slice %arg7[%dma_wait3A_275, %dma_wait3A_276] : memref<3x128xi32, #tpu.memory_space<vmem>> -> memref<1x128xi32, #tpu.memory_space<vmem>>
        %dma_wait3A_278 = tpu.memref_squeeze %dma_wait3A_277 : memref<1x128xi32, #tpu.memory_space<vmem>> -> memref<128xi32, #tpu.memory_space<vmem>>
        %dma_wait3A_279 = arith.constant 0 : i32
        %dma_wait3A_280 = tpu.memref_slice %arg2[%dma_wait3A_274, %dma_wait3A_279] : memref<2x320000xi32, #tpu.memory_space<hbm>> -> memref<1x128xi32, #tpu.memory_space<hbm>>
        %dma_wait3A_281 = tpu.memref_squeeze %dma_wait3A_280 : memref<1x128xi32, #tpu.memory_space<hbm>> -> memref<128xi32, #tpu.memory_space<hbm>>
        %dma_wait3A_282 = arith.constant 0 : i32
        %dma_wait3A_283 = tpu.memref_slice %arg7[%dma_wait3A_275, %dma_wait3A_282] : memref<3x128xi32, #tpu.memory_space<vmem>> -> memref<1x128xi32, #tpu.memory_space<vmem>>
        %dma_wait3A_284 = tpu.memref_squeeze %dma_wait3A_283 : memref<1x128xi32, #tpu.memory_space<vmem>> -> memref<128xi32, #tpu.memory_space<vmem>>
        %dma_wait3A_285 = arith.constant 0 : i32
        %dma_wait3A_286 = tpu.memref_slice %arg2[%dma_wait3A_274, %dma_wait3A_285] : memref<2x320000xi32, #tpu.memory_space<hbm>> -> memref<1x128xi32, #tpu.memory_space<hbm>>
        %dma_wait3A_287 = tpu.memref_squeeze %dma_wait3A_286 : memref<1x128xi32, #tpu.memory_space<hbm>> -> memref<128xi32, #tpu.memory_space<hbm>>
        tpu.wait_dma2 semaphore(%arg13 : memref<!tpu.dma_semaphore, #tpu.memory_space<semaphore_mem>>) src(%dma_wait3A_287 : memref<128xi32, #tpu.memory_space<hbm>>) dst(%dma_wait3A_284 : memref<128xi32, #tpu.memory_space<vmem>>)
        %dma_start3A_288 = arith.constant 2 : i32
        %dma_start3A_289 = arith.constant 1 : i32
        %dma_start3A_290 = arith.constant 0 : i32
        %dma_start3A_291 = arith.constant 0 : i32
        %dma_start3A_292 = tpu.memref_slice %arg9[%dma_start3A_289, %dma_start3A_290, %dma_start3A_291] : memref<2x128x128xf32, #tpu.memory_space<vmem>> -> memref<1x128x128xf32, #tpu.memory_space<vmem>>
        %dma_start3A_293 = tpu.memref_squeeze %dma_start3A_292 : memref<1x128x128xf32, #tpu.memory_space<vmem>> -> memref<128x128xf32, #tpu.memory_space<vmem>>
        %dma_start3A_294 = arith.constant 0 : i32
        %dma_start3A_295 = tpu.memref_slice %arg7[%dma_start3A_288, %dma_start3A_294] : memref<3x128xi32, #tpu.memory_space<vmem>> -> memref<1x128xi32, #tpu.memory_space<vmem>>
        %dma_start3A_296 = tpu.memref_squeeze %dma_start3A_295 : memref<1x128xi32, #tpu.memory_space<vmem>> -> memref<128xi32, #tpu.memory_space<vmem>>
        %dma_start3A_297 = arith.constant 0 : i32
        %dma_start3A_298 = arith.constant 0 : i32
        %dma_start3A_299 = tpu.memref_slice %arg4[%dma_start3A_297, %dma_start3A_298] : memref<10240x128xf32, #tpu.memory_space<hbm>> -> memref<10240x128xf32, #tpu.memory_space<hbm>>
        tpu.enqueue_indirect_dma source(%dma_start3A_299 : memref<10240x128xf32, #tpu.memory_space<hbm>>) target(%dma_start3A_293 : memref<128x128xf32, #tpu.memory_space<vmem>>) offsets(%dma_start3A_296 : memref<128xi32, #tpu.memory_space<vmem>>) semaphore(%arg15 : memref<!tpu.dma_semaphore, #tpu.memory_space<semaphore_mem>>)
      } else {
      }
      %add3A_199 = arith.constant 3 : i32
      %add3A_200 = arith.addi %add3A_175, %add3A_199 : i32
      %lt3A_201 = arith.constant 78 : i32
      %lt3A_202 = arith.cmpi slt, %add3A_200, %lt3A_201 : i32
      %convert_element_type3A_203 = arith.extui %lt3A_202 : i1 to i32
      %cond3A_204 = arith.constant 0 : i32
      %cond3A_205 = arith.cmpi ne, %convert_element_type3A_203, %cond3A_204 : i32
      scf.if %cond3A_205 {
        %add3A_274 = arith.constant 3 : i32
        %add3A_275 = arith.addi %add3A_175, %add3A_274 : i32
        %mul3A_276 = arith.constant 128 : i32
        %mul3A_277 = arith.muli %add3A_275, %mul3A_276 : i32
        %add3A_278 = arith.addi %mul3A_12, %mul3A_277 : i32
        %dma_start3A_279 = arith.constant 0 : i32
        %dma_start3A_280 = arith.constant 0 : i32
        %dma_start3A_281 = arith.constant 0 : i32
        %dma_start3A_282 = tpu.memref_slice %arg7[%dma_start3A_280, %dma_start3A_281] : memref<3x128xi32, #tpu.memory_space<vmem>> -> memref<1x128xi32, #tpu.memory_space<vmem>>
        %dma_start3A_283 = tpu.memref_squeeze %dma_start3A_282 : memref<1x128xi32, #tpu.memory_space<vmem>> -> memref<128xi32, #tpu.memory_space<vmem>>
        %dma_start3A_284 = tpu.memref_slice %arg2[%dma_start3A_279, %add3A_278] : memref<2x320000xi32, #tpu.memory_space<hbm>> -> memref<1x128xi32, #tpu.memory_space<hbm>>
        %dma_start3A_285 = tpu.memref_squeeze %dma_start3A_284 : memref<1x128xi32, #tpu.memory_space<hbm>> -> memref<128xi32, #tpu.memory_space<hbm>>
        %dma_start3A_286 = arith.constant 0 : i32
        %dma_start3A_287 = tpu.memref_slice %arg7[%dma_start3A_280, %dma_start3A_286] : memref<3x128xi32, #tpu.memory_space<vmem>> -> memref<1x128xi32, #tpu.memory_space<vmem>>
        %dma_start3A_288 = tpu.memref_squeeze %dma_start3A_287 : memref<1x128xi32, #tpu.memory_space<vmem>> -> memref<128xi32, #tpu.memory_space<vmem>>
        %dma_start3A_289 = tpu.memref_slice %arg2[%dma_start3A_279, %add3A_278] : memref<2x320000xi32, #tpu.memory_space<hbm>> -> memref<1x128xi32, #tpu.memory_space<hbm>>
        %dma_start3A_290 = tpu.memref_squeeze %dma_start3A_289 : memref<1x128xi32, #tpu.memory_space<hbm>> -> memref<128xi32, #tpu.memory_space<hbm>>
        tpu.enqueue_dma source(%dma_start3A_290 : memref<128xi32, #tpu.memory_space<hbm>>) target(%dma_start3A_288 : memref<128xi32, #tpu.memory_space<vmem>>) target_semaphore(%arg11 : memref<!tpu.dma_semaphore, #tpu.memory_space<semaphore_mem>>)
      } else {
      }
      %mul3A_206 = arith.constant 6 : i32
      %mul3A_207 = arith.muli %mul3A_206, %scan3A_70 : i32
      %add3A_208 = arith.constant 4 : i32
      %add3A_209 = arith.addi %mul3A_207, %add3A_208 : i32
      %dma_wait3A_210 = arith.constant 0 : i32
      %dma_wait3A_211 = arith.constant 0 : i32
      %dma_wait3A_212 = arith.constant 0 : i32
      %dma_wait3A_213 = tpu.memref_slice %arg9[%dma_wait3A_210, %dma_wait3A_211, %dma_wait3A_212] : memref<2x128x128xf32, #tpu.memory_space<vmem>> -> memref<1x128x128xf32, #tpu.memory_space<vmem>>
      %dma_wait3A_214 = tpu.memref_squeeze %dma_wait3A_213 : memref<1x128x128xf32, #tpu.memory_space<vmem>> -> memref<128x128xf32, #tpu.memory_space<vmem>>
      %dma_wait3A_215 = arith.constant 0 : i32
      %dma_wait3A_216 = arith.constant 0 : i32
      %dma_wait3A_217 = tpu.memref_slice %arg4[%dma_wait3A_215, %dma_wait3A_216] : memref<10240x128xf32, #tpu.memory_space<hbm>> -> memref<128x128xf32, #tpu.memory_space<hbm>>
      %dma_wait3A_218 = arith.constant 0 : i32
      %dma_wait3A_219 = arith.constant 0 : i32
      %dma_wait3A_220 = tpu.memref_slice %arg9[%dma_wait3A_210, %dma_wait3A_218, %dma_wait3A_219] : memref<2x128x128xf32, #tpu.memory_space<vmem>> -> memref<1x128x128xf32, #tpu.memory_space<vmem>>
      %dma_wait3A_221 = tpu.memref_squeeze %dma_wait3A_220 : memref<1x128x128xf32, #tpu.memory_space<vmem>> -> memref<128x128xf32, #tpu.memory_space<vmem>>
      %dma_wait3A_222 = arith.constant 0 : i32
      %dma_wait3A_223 = arith.constant 0 : i32
      %dma_wait3A_224 = tpu.memref_slice %arg4[%dma_wait3A_222, %dma_wait3A_223] : memref<10240x128xf32, #tpu.memory_space<hbm>> -> memref<128x128xf32, #tpu.memory_space<hbm>>
      tpu.wait_dma2 semaphore(%arg14 : memref<!tpu.dma_semaphore, #tpu.memory_space<semaphore_mem>>) src(%dma_wait3A_224 : memref<128x128xf32, #tpu.memory_space<hbm>>) dst(%dma_wait3A_221 : memref<128x128xf32, #tpu.memory_space<vmem>>)
      %run_scoped3A_225 = arith.constant 0 : i32
      "tpu.region"() ({
        %run_scoped3A_274 = tpu.sem_alloc : memref<!tpu.dma_semaphore, #tpu.memory_space<semaphore_mem>>
        %dma_start3A_275 = arith.constant 0 : i32
        %dma_start3A_276 = arith.constant 0 : i32
        %dma_start3A_277 = tpu.memref_slice %arg9[%run_scoped3A_225, %dma_start3A_275, %dma_start3A_276] : memref<2x128x128xf32, #tpu.memory_space<vmem>> -> memref<1x128x128xf32, #tpu.memory_space<vmem>>
        %dma_start3A_278 = tpu.memref_squeeze %dma_start3A_277 : memref<1x128x128xf32, #tpu.memory_space<vmem>> -> memref<128x128xf32, #tpu.memory_space<vmem>>
        %dma_start3A_279 = arith.constant 0 : i32
        %dma_start3A_280 = tpu.memref_slice %arg8[%add3A_209, %dma_start3A_279] : memref<79x128xi32, #tpu.memory_space<vmem>> -> memref<1x128xi32, #tpu.memory_space<vmem>>
        %dma_start3A_281 = tpu.memref_squeeze %dma_start3A_280 : memref<1x128xi32, #tpu.memory_space<vmem>> -> memref<128xi32, #tpu.memory_space<vmem>>
        %dma_start3A_282 = arith.constant 0 : i32
        %dma_start3A_283 = arith.constant 0 : i32
        %dma_start3A_284 = tpu.memref_slice %arg10[%dma_start3A_282, %dma_start3A_283] : memref<10240x128xf32, #tpu.memory_space<vmem_shared>> -> memref<10240x128xf32, #tpu.memory_space<vmem_shared>>
        tpu.enqueue_indirect_dma source(%dma_start3A_278 : memref<128x128xf32, #tpu.memory_space<vmem>>) target(%dma_start3A_284 : memref<10240x128xf32, #tpu.memory_space<vmem_shared>>) offsets(%dma_start3A_281 : memref<128xi32, #tpu.memory_space<vmem>>) semaphore(%run_scoped3A_274 : memref<!tpu.dma_semaphore, #tpu.memory_space<semaphore_mem>>) {add = true}
        %dma_wait3A_285 = arith.constant 0 : i32
        %dma_wait3A_286 = arith.constant 0 : i32
        %dma_wait3A_287 = tpu.memref_slice %arg9[%run_scoped3A_225, %dma_wait3A_285, %dma_wait3A_286] : memref<2x128x128xf32, #tpu.memory_space<vmem>> -> memref<1x128x128xf32, #tpu.memory_space<vmem>>
        %dma_wait3A_288 = tpu.memref_squeeze %dma_wait3A_287 : memref<1x128x128xf32, #tpu.memory_space<vmem>> -> memref<128x128xf32, #tpu.memory_space<vmem>>
        %dma_wait3A_289 = arith.constant 0 : i32
        %dma_wait3A_290 = tpu.memref_slice %arg8[%add3A_209, %dma_wait3A_289] : memref<79x128xi32, #tpu.memory_space<vmem>> -> memref<1x128xi32, #tpu.memory_space<vmem>>
        %dma_wait3A_291 = tpu.memref_squeeze %dma_wait3A_290 : memref<1x128xi32, #tpu.memory_space<vmem>> -> memref<128xi32, #tpu.memory_space<vmem>>
        %dma_wait3A_292 = arith.constant 0 : i32
        %dma_wait3A_293 = arith.constant 0 : i32
        %dma_wait3A_294 = tpu.memref_slice %arg10[%dma_wait3A_292, %dma_wait3A_293] : memref<10240x128xf32, #tpu.memory_space<vmem_shared>> -> memref<10240x128xf32, #tpu.memory_space<vmem_shared>>
        tpu.wait_indirect_dma semaphore(%run_scoped3A_274 : memref<!tpu.dma_semaphore, #tpu.memory_space<semaphore_mem>>) src(%dma_wait3A_288 : memref<128x128xf32, #tpu.memory_space<vmem>>) dst(%dma_wait3A_294 : memref<10240x128xf32, #tpu.memory_space<vmem_shared>>)
        tpu.yield
      }) : () -> ()
      %add3A_226 = arith.constant 2 : i32
      %add3A_227 = arith.addi %add3A_209, %add3A_226 : i32
      %lt3A_228 = arith.constant 78 : i32
      %lt3A_229 = arith.cmpi slt, %add3A_227, %lt3A_228 : i32
      %convert_element_type3A_230 = arith.extui %lt3A_229 : i1 to i32
      %cond3A_231 = arith.constant 0 : i32
      %cond3A_232 = arith.cmpi ne, %convert_element_type3A_230, %cond3A_231 : i32
      scf.if %cond3A_232 {
        %dma_wait3A_274 = arith.constant 0 : i32
        %dma_wait3A_275 = arith.constant 0 : i32
        %dma_wait3A_276 = arith.constant 0 : i32
        %dma_wait3A_277 = tpu.memref_slice %arg7[%dma_wait3A_275, %dma_wait3A_276] : memref<3x128xi32, #tpu.memory_space<vmem>> -> memref<1x128xi32, #tpu.memory_space<vmem>>
        %dma_wait3A_278 = tpu.memref_squeeze %dma_wait3A_277 : memref<1x128xi32, #tpu.memory_space<vmem>> -> memref<128xi32, #tpu.memory_space<vmem>>
        %dma_wait3A_279 = arith.constant 0 : i32
        %dma_wait3A_280 = tpu.memref_slice %arg2[%dma_wait3A_274, %dma_wait3A_279] : memref<2x320000xi32, #tpu.memory_space<hbm>> -> memref<1x128xi32, #tpu.memory_space<hbm>>
        %dma_wait3A_281 = tpu.memref_squeeze %dma_wait3A_280 : memref<1x128xi32, #tpu.memory_space<hbm>> -> memref<128xi32, #tpu.memory_space<hbm>>
        %dma_wait3A_282 = arith.constant 0 : i32
        %dma_wait3A_283 = tpu.memref_slice %arg7[%dma_wait3A_275, %dma_wait3A_282] : memref<3x128xi32, #tpu.memory_space<vmem>> -> memref<1x128xi32, #tpu.memory_space<vmem>>
        %dma_wait3A_284 = tpu.memref_squeeze %dma_wait3A_283 : memref<1x128xi32, #tpu.memory_space<vmem>> -> memref<128xi32, #tpu.memory_space<vmem>>
        %dma_wait3A_285 = arith.constant 0 : i32
        %dma_wait3A_286 = tpu.memref_slice %arg2[%dma_wait3A_274, %dma_wait3A_285] : memref<2x320000xi32, #tpu.memory_space<hbm>> -> memref<1x128xi32, #tpu.memory_space<hbm>>
        %dma_wait3A_287 = tpu.memref_squeeze %dma_wait3A_286 : memref<1x128xi32, #tpu.memory_space<hbm>> -> memref<128xi32, #tpu.memory_space<hbm>>
        tpu.wait_dma2 semaphore(%arg11 : memref<!tpu.dma_semaphore, #tpu.memory_space<semaphore_mem>>) src(%dma_wait3A_287 : memref<128xi32, #tpu.memory_space<hbm>>) dst(%dma_wait3A_284 : memref<128xi32, #tpu.memory_space<vmem>>)
        %dma_start3A_288 = arith.constant 0 : i32
        %dma_start3A_289 = arith.constant 0 : i32
        %dma_start3A_290 = arith.constant 0 : i32
        %dma_start3A_291 = arith.constant 0 : i32
        %dma_start3A_292 = tpu.memref_slice %arg9[%dma_start3A_289, %dma_start3A_290, %dma_start3A_291] : memref<2x128x128xf32, #tpu.memory_space<vmem>> -> memref<1x128x128xf32, #tpu.memory_space<vmem>>
        %dma_start3A_293 = tpu.memref_squeeze %dma_start3A_292 : memref<1x128x128xf32, #tpu.memory_space<vmem>> -> memref<128x128xf32, #tpu.memory_space<vmem>>
        %dma_start3A_294 = arith.constant 0 : i32
        %dma_start3A_295 = tpu.memref_slice %arg7[%dma_start3A_288, %dma_start3A_294] : memref<3x128xi32, #tpu.memory_space<vmem>> -> memref<1x128xi32, #tpu.memory_space<vmem>>
        %dma_start3A_296 = tpu.memref_squeeze %dma_start3A_295 : memref<1x128xi32, #tpu.memory_space<vmem>> -> memref<128xi32, #tpu.memory_space<vmem>>
        %dma_start3A_297 = arith.constant 0 : i32
        %dma_start3A_298 = arith.constant 0 : i32
        %dma_start3A_299 = tpu.memref_slice %arg4[%dma_start3A_297, %dma_start3A_298] : memref<10240x128xf32, #tpu.memory_space<hbm>> -> memref<10240x128xf32, #tpu.memory_space<hbm>>
        tpu.enqueue_indirect_dma source(%dma_start3A_299 : memref<10240x128xf32, #tpu.memory_space<hbm>>) target(%dma_start3A_293 : memref<128x128xf32, #tpu.memory_space<vmem>>) offsets(%dma_start3A_296 : memref<128xi32, #tpu.memory_space<vmem>>) semaphore(%arg14 : memref<!tpu.dma_semaphore, #tpu.memory_space<semaphore_mem>>)
      } else {
      }
      %add3A_233 = arith.constant 3 : i32
      %add3A_234 = arith.addi %add3A_209, %add3A_233 : i32
      %lt3A_235 = arith.constant 78 : i32
      %lt3A_236 = arith.cmpi slt, %add3A_234, %lt3A_235 : i32
      %convert_element_type3A_237 = arith.extui %lt3A_236 : i1 to i32
      %cond3A_238 = arith.constant 0 : i32
      %cond3A_239 = arith.cmpi ne, %convert_element_type3A_237, %cond3A_238 : i32
      scf.if %cond3A_239 {
        %add3A_274 = arith.constant 3 : i32
        %add3A_275 = arith.addi %add3A_209, %add3A_274 : i32
        %mul3A_276 = arith.constant 128 : i32
        %mul3A_277 = arith.muli %add3A_275, %mul3A_276 : i32
        %add3A_278 = arith.addi %mul3A_12, %mul3A_277 : i32
        %dma_start3A_279 = arith.constant 0 : i32
        %dma_start3A_280 = arith.constant 1 : i32
        %dma_start3A_281 = arith.constant 0 : i32
        %dma_start3A_282 = tpu.memref_slice %arg7[%dma_start3A_280, %dma_start3A_281] : memref<3x128xi32, #tpu.memory_space<vmem>> -> memref<1x128xi32, #tpu.memory_space<vmem>>
        %dma_start3A_283 = tpu.memref_squeeze %dma_start3A_282 : memref<1x128xi32, #tpu.memory_space<vmem>> -> memref<128xi32, #tpu.memory_space<vmem>>
        %dma_start3A_284 = tpu.memref_slice %arg2[%dma_start3A_279, %add3A_278] : memref<2x320000xi32, #tpu.memory_space<hbm>> -> memref<1x128xi32, #tpu.memory_space<hbm>>
        %dma_start3A_285 = tpu.memref_squeeze %dma_start3A_284 : memref<1x128xi32, #tpu.memory_space<hbm>> -> memref<128xi32, #tpu.memory_space<hbm>>
        %dma_start3A_286 = arith.constant 0 : i32
        %dma_start3A_287 = tpu.memref_slice %arg7[%dma_start3A_280, %dma_start3A_286] : memref<3x128xi32, #tpu.memory_space<vmem>> -> memref<1x128xi32, #tpu.memory_space<vmem>>
        %dma_start3A_288 = tpu.memref_squeeze %dma_start3A_287 : memref<1x128xi32, #tpu.memory_space<vmem>> -> memref<128xi32, #tpu.memory_space<vmem>>
        %dma_start3A_289 = tpu.memref_slice %arg2[%dma_start3A_279, %add3A_278] : memref<2x320000xi32, #tpu.memory_space<hbm>> -> memref<1x128xi32, #tpu.memory_space<hbm>>
        %dma_start3A_290 = tpu.memref_squeeze %dma_start3A_289 : memref<1x128xi32, #tpu.memory_space<hbm>> -> memref<128xi32, #tpu.memory_space<hbm>>
        tpu.enqueue_dma source(%dma_start3A_290 : memref<128xi32, #tpu.memory_space<hbm>>) target(%dma_start3A_288 : memref<128xi32, #tpu.memory_space<vmem>>) target_semaphore(%arg12 : memref<!tpu.dma_semaphore, #tpu.memory_space<semaphore_mem>>)
      } else {
      }
      %mul3A_240 = arith.constant 6 : i32
      %mul3A_241 = arith.muli %mul3A_240, %scan3A_70 : i32
      %add3A_242 = arith.constant 5 : i32
      %add3A_243 = arith.addi %mul3A_241, %add3A_242 : i32
      %dma_wait3A_244 = arith.constant 1 : i32
      %dma_wait3A_245 = arith.constant 0 : i32
      %dma_wait3A_246 = arith.constant 0 : i32
      %dma_wait3A_247 = tpu.memref_slice %arg9[%dma_wait3A_244, %dma_wait3A_245, %dma_wait3A_246] : memref<2x128x128xf32, #tpu.memory_space<vmem>> -> memref<1x128x128xf32, #tpu.memory_space<vmem>>
      %dma_wait3A_248 = tpu.memref_squeeze %dma_wait3A_247 : memref<1x128x128xf32, #tpu.memory_space<vmem>> -> memref<128x128xf32, #tpu.memory_space<vmem>>
      %dma_wait3A_249 = arith.constant 0 : i32
      %dma_wait3A_250 = arith.constant 0 : i32
      %dma_wait3A_251 = tpu.memref_slice %arg4[%dma_wait3A_249, %dma_wait3A_250] : memref<10240x128xf32, #tpu.memory_space<hbm>> -> memref<128x128xf32, #tpu.memory_space<hbm>>
      %dma_wait3A_252 = arith.constant 0 : i32
      %dma_wait3A_253 = arith.constant 0 : i32
      %dma_wait3A_254 = tpu.memref_slice %arg9[%dma_wait3A_244, %dma_wait3A_252, %dma_wait3A_253] : memref<2x128x128xf32, #tpu.memory_space<vmem>> -> memref<1x128x128xf32, #tpu.memory_space<vmem>>
      %dma_wait3A_255 = tpu.memref_squeeze %dma_wait3A_254 : memref<1x128x128xf32, #tpu.memory_space<vmem>> -> memref<128x128xf32, #tpu.memory_space<vmem>>
      %dma_wait3A_256 = arith.constant 0 : i32
      %dma_wait3A_257 = arith.constant 0 : i32
      %dma_wait3A_258 = tpu.memref_slice %arg4[%dma_wait3A_256, %dma_wait3A_257] : memref<10240x128xf32, #tpu.memory_space<hbm>> -> memref<128x128xf32, #tpu.memory_space<hbm>>
      tpu.wait_dma2 semaphore(%arg15 : memref<!tpu.dma_semaphore, #tpu.memory_space<semaphore_mem>>) src(%dma_wait3A_258 : memref<128x128xf32, #tpu.memory_space<hbm>>) dst(%dma_wait3A_255 : memref<128x128xf32, #tpu.memory_space<vmem>>)
      %run_scoped3A_259 = arith.constant 1 : i32
      "tpu.region"() ({
        %run_scoped3A_274 = tpu.sem_alloc : memref<!tpu.dma_semaphore, #tpu.memory_space<semaphore_mem>>
        %dma_start3A_275 = arith.constant 0 : i32
        %dma_start3A_276 = arith.constant 0 : i32
        %dma_start3A_277 = tpu.memref_slice %arg9[%run_scoped3A_259, %dma_start3A_275, %dma_start3A_276] : memref<2x128x128xf32, #tpu.memory_space<vmem>> -> memref<1x128x128xf32, #tpu.memory_space<vmem>>
        %dma_start3A_278 = tpu.memref_squeeze %dma_start3A_277 : memref<1x128x128xf32, #tpu.memory_space<vmem>> -> memref<128x128xf32, #tpu.memory_space<vmem>>
        %dma_start3A_279 = arith.constant 0 : i32
        %dma_start3A_280 = tpu.memref_slice %arg8[%add3A_243, %dma_start3A_279] : memref<79x128xi32, #tpu.memory_space<vmem>> -> memref<1x128xi32, #tpu.memory_space<vmem>>
        %dma_start3A_281 = tpu.memref_squeeze %dma_start3A_280 : memref<1x128xi32, #tpu.memory_space<vmem>> -> memref<128xi32, #tpu.memory_space<vmem>>
        %dma_start3A_282 = arith.constant 0 : i32
        %dma_start3A_283 = arith.constant 0 : i32
        %dma_start3A_284 = tpu.memref_slice %arg10[%dma_start3A_282, %dma_start3A_283] : memref<10240x128xf32, #tpu.memory_space<vmem_shared>> -> memref<10240x128xf32, #tpu.memory_space<vmem_shared>>
        tpu.enqueue_indirect_dma source(%dma_start3A_278 : memref<128x128xf32, #tpu.memory_space<vmem>>) target(%dma_start3A_284 : memref<10240x128xf32, #tpu.memory_space<vmem_shared>>) offsets(%dma_start3A_281 : memref<128xi32, #tpu.memory_space<vmem>>) semaphore(%run_scoped3A_274 : memref<!tpu.dma_semaphore, #tpu.memory_space<semaphore_mem>>) {add = true}
        %dma_wait3A_285 = arith.constant 0 : i32
        %dma_wait3A_286 = arith.constant 0 : i32
        %dma_wait3A_287 = tpu.memref_slice %arg9[%run_scoped3A_259, %dma_wait3A_285, %dma_wait3A_286] : memref<2x128x128xf32, #tpu.memory_space<vmem>> -> memref<1x128x128xf32, #tpu.memory_space<vmem>>
        %dma_wait3A_288 = tpu.memref_squeeze %dma_wait3A_287 : memref<1x128x128xf32, #tpu.memory_space<vmem>> -> memref<128x128xf32, #tpu.memory_space<vmem>>
        %dma_wait3A_289 = arith.constant 0 : i32
        %dma_wait3A_290 = tpu.memref_slice %arg8[%add3A_243, %dma_wait3A_289] : memref<79x128xi32, #tpu.memory_space<vmem>> -> memref<1x128xi32, #tpu.memory_space<vmem>>
        %dma_wait3A_291 = tpu.memref_squeeze %dma_wait3A_290 : memref<1x128xi32, #tpu.memory_space<vmem>> -> memref<128xi32, #tpu.memory_space<vmem>>
        %dma_wait3A_292 = arith.constant 0 : i32
        %dma_wait3A_293 = arith.constant 0 : i32
        %dma_wait3A_294 = tpu.memref_slice %arg10[%dma_wait3A_292, %dma_wait3A_293] : memref<10240x128xf32, #tpu.memory_space<vmem_shared>> -> memref<10240x128xf32, #tpu.memory_space<vmem_shared>>
        tpu.wait_indirect_dma semaphore(%run_scoped3A_274 : memref<!tpu.dma_semaphore, #tpu.memory_space<semaphore_mem>>) src(%dma_wait3A_288 : memref<128x128xf32, #tpu.memory_space<vmem>>) dst(%dma_wait3A_294 : memref<10240x128xf32, #tpu.memory_space<vmem_shared>>)
        tpu.yield
      }) : () -> ()
      %add3A_260 = arith.constant 2 : i32
      %add3A_261 = arith.addi %add3A_243, %add3A_260 : i32
      %lt3A_262 = arith.constant 78 : i32
      %lt3A_263 = arith.cmpi slt, %add3A_261, %lt3A_262 : i32
      %convert_element_type3A_264 = arith.extui %lt3A_263 : i1 to i32
      %cond3A_265 = arith.constant 0 : i32
      %cond3A_266 = arith.cmpi ne, %convert_element_type3A_264, %cond3A_265 : i32
      scf.if %cond3A_266 {
        %dma_wait3A_274 = arith.constant 0 : i32
        %dma_wait3A_275 = arith.constant 1 : i32
        %dma_wait3A_276 = arith.constant 0 : i32
        %dma_wait3A_277 = tpu.memref_slice %arg7[%dma_wait3A_275, %dma_wait3A_276] : memref<3x128xi32, #tpu.memory_space<vmem>> -> memref<1x128xi32, #tpu.memory_space<vmem>>
        %dma_wait3A_278 = tpu.memref_squeeze %dma_wait3A_277 : memref<1x128xi32, #tpu.memory_space<vmem>> -> memref<128xi32, #tpu.memory_space<vmem>>
        %dma_wait3A_279 = arith.constant 0 : i32
        %dma_wait3A_280 = tpu.memref_slice %arg2[%dma_wait3A_274, %dma_wait3A_279] : memref<2x320000xi32, #tpu.memory_space<hbm>> -> memref<1x128xi32, #tpu.memory_space<hbm>>
        %dma_wait3A_281 = tpu.memref_squeeze %dma_wait3A_280 : memref<1x128xi32, #tpu.memory_space<hbm>> -> memref<128xi32, #tpu.memory_space<hbm>>
        %dma_wait3A_282 = arith.constant 0 : i32
        %dma_wait3A_283 = tpu.memref_slice %arg7[%dma_wait3A_275, %dma_wait3A_282] : memref<3x128xi32, #tpu.memory_space<vmem>> -> memref<1x128xi32, #tpu.memory_space<vmem>>
        %dma_wait3A_284 = tpu.memref_squeeze %dma_wait3A_283 : memref<1x128xi32, #tpu.memory_space<vmem>> -> memref<128xi32, #tpu.memory_space<vmem>>
        %dma_wait3A_285 = arith.constant 0 : i32
        %dma_wait3A_286 = tpu.memref_slice %arg2[%dma_wait3A_274, %dma_wait3A_285] : memref<2x320000xi32, #tpu.memory_space<hbm>> -> memref<1x128xi32, #tpu.memory_space<hbm>>
        %dma_wait3A_287 = tpu.memref_squeeze %dma_wait3A_286 : memref<1x128xi32, #tpu.memory_space<hbm>> -> memref<128xi32, #tpu.memory_space<hbm>>
        tpu.wait_dma2 semaphore(%arg12 : memref<!tpu.dma_semaphore, #tpu.memory_space<semaphore_mem>>) src(%dma_wait3A_287 : memref<128xi32, #tpu.memory_space<hbm>>) dst(%dma_wait3A_284 : memref<128xi32, #tpu.memory_space<vmem>>)
        %dma_start3A_288 = arith.constant 1 : i32
        %dma_start3A_289 = arith.constant 1 : i32
        %dma_start3A_290 = arith.constant 0 : i32
        %dma_start3A_291 = arith.constant 0 : i32
        %dma_start3A_292 = tpu.memref_slice %arg9[%dma_start3A_289, %dma_start3A_290, %dma_start3A_291] : memref<2x128x128xf32, #tpu.memory_space<vmem>> -> memref<1x128x128xf32, #tpu.memory_space<vmem>>
        %dma_start3A_293 = tpu.memref_squeeze %dma_start3A_292 : memref<1x128x128xf32, #tpu.memory_space<vmem>> -> memref<128x128xf32, #tpu.memory_space<vmem>>
        %dma_start3A_294 = arith.constant 0 : i32
        %dma_start3A_295 = tpu.memref_slice %arg7[%dma_start3A_288, %dma_start3A_294] : memref<3x128xi32, #tpu.memory_space<vmem>> -> memref<1x128xi32, #tpu.memory_space<vmem>>
        %dma_start3A_296 = tpu.memref_squeeze %dma_start3A_295 : memref<1x128xi32, #tpu.memory_space<vmem>> -> memref<128xi32, #tpu.memory_space<vmem>>
        %dma_start3A_297 = arith.constant 0 : i32
        %dma_start3A_298 = arith.constant 0 : i32
        %dma_start3A_299 = tpu.memref_slice %arg4[%dma_start3A_297, %dma_start3A_298] : memref<10240x128xf32, #tpu.memory_space<hbm>> -> memref<10240x128xf32, #tpu.memory_space<hbm>>
        tpu.enqueue_indirect_dma source(%dma_start3A_299 : memref<10240x128xf32, #tpu.memory_space<hbm>>) target(%dma_start3A_293 : memref<128x128xf32, #tpu.memory_space<vmem>>) offsets(%dma_start3A_296 : memref<128xi32, #tpu.memory_space<vmem>>) semaphore(%arg15 : memref<!tpu.dma_semaphore, #tpu.memory_space<semaphore_mem>>)
      } else {
      }
      %add3A_267 = arith.constant 3 : i32
      %add3A_268 = arith.addi %add3A_243, %add3A_267 : i32
      %lt3A_269 = arith.constant 78 : i32
      %lt3A_270 = arith.cmpi slt, %add3A_268, %lt3A_269 : i32
      %convert_element_type3A_271 = arith.extui %lt3A_270 : i1 to i32
      %cond3A_272 = arith.constant 0 : i32
      %cond3A_273 = arith.cmpi ne, %convert_element_type3A_271, %cond3A_272 : i32
      scf.if %cond3A_273 {
        %add3A_274 = arith.constant 3 : i32
        %add3A_275 = arith.addi %add3A_243, %add3A_274 : i32
        %mul3A_276 = arith.constant 128 : i32
        %mul3A_277 = arith.muli %add3A_275, %mul3A_276 : i32
        %add3A_278 = arith.addi %mul3A_12, %mul3A_277 : i32
        %dma_start3A_279 = arith.constant 0 : i32
        %dma_start3A_280 = arith.constant 2 : i32
        %dma_start3A_281 = arith.constant 0 : i32
        %dma_start3A_282 = tpu.memref_slice %arg7[%dma_start3A_280, %dma_start3A_281] : memref<3x128xi32, #tpu.memory_space<vmem>> -> memref<1x128xi32, #tpu.memory_space<vmem>>
        %dma_start3A_283 = tpu.memref_squeeze %dma_start3A_282 : memref<1x128xi32, #tpu.memory_space<vmem>> -> memref<128xi32, #tpu.memory_space<vmem>>
        %dma_start3A_284 = tpu.memref_slice %arg2[%dma_start3A_279, %add3A_278] : memref<2x320000xi32, #tpu.memory_space<hbm>> -> memref<1x128xi32, #tpu.memory_space<hbm>>
        %dma_start3A_285 = tpu.memref_squeeze %dma_start3A_284 : memref<1x128xi32, #tpu.memory_space<hbm>> -> memref<128xi32, #tpu.memory_space<hbm>>
        %dma_start3A_286 = arith.constant 0 : i32
        %dma_start3A_287 = tpu.memref_slice %arg7[%dma_start3A_280, %dma_start3A_286] : memref<3x128xi32, #tpu.memory_space<vmem>> -> memref<1x128xi32, #tpu.memory_space<vmem>>
        %dma_start3A_288 = tpu.memref_squeeze %dma_start3A_287 : memref<1x128xi32, #tpu.memory_space<vmem>> -> memref<128xi32, #tpu.memory_space<vmem>>
        %dma_start3A_289 = tpu.memref_slice %arg2[%dma_start3A_279, %add3A_278] : memref<2x320000xi32, #tpu.memory_space<hbm>> -> memref<1x128xi32, #tpu.memory_space<hbm>>
        %dma_start3A_290 = tpu.memref_squeeze %dma_start3A_289 : memref<1x128xi32, #tpu.memory_space<hbm>> -> memref<128xi32, #tpu.memory_space<hbm>>
        tpu.enqueue_dma source(%dma_start3A_290 : memref<128xi32, #tpu.memory_space<hbm>>) target(%dma_start3A_288 : memref<128xi32, #tpu.memory_space<vmem>>) target_semaphore(%arg13 : memref<!tpu.dma_semaphore, #tpu.memory_space<semaphore_mem>>)
      } else {
      }
    }
    %scan3A_59 = arith.constant 13 : i32
    %lt3A_60 = arith.constant 4 : i32
    %lt3A_61 = arith.cmpi slt, %add3A, %lt3A_60 : i32
    %convert_element_type3A_62 = arith.extui %lt3A_61 : i1 to i32
    %cond3A_63 = arith.constant 0 : i32
    %cond3A_64 = arith.cmpi ne, %convert_element_type3A_62, %cond3A_63 : i32
    scf.if %cond3A_64 {
      %add3A_70 = arith.constant 2496 : i32
      %add3A_71 = arith.addi %add3A_70, %add3A : i32
      %mul3A_72 = arith.constant 128 : i32
      %mul3A_73 = arith.muli %add3A_71, %mul3A_72 : i32
      %run_scoped3A_74 = arith.constant 0 : i32
      %run_scoped3A_75 = arith.constant 0 : i32
      "tpu.region"() ({
        %run_scoped3A_104 = tpu.sem_alloc : memref<!tpu.dma_semaphore, #tpu.memory_space<semaphore_mem>>
        %dma_start3A_105 = arith.constant 0 : i32
        %dma_start3A_106 = tpu.memref_slice %arg7[%run_scoped3A_75, %dma_start3A_105] : memref<3x128xi32, #tpu.memory_space<vmem>> -> memref<1x128xi32, #tpu.memory_space<vmem>>
        %dma_start3A_107 = tpu.memref_squeeze %dma_start3A_106 : memref<1x128xi32, #tpu.memory_space<vmem>> -> memref<128xi32, #tpu.memory_space<vmem>>
        %dma_start3A_108 = tpu.memref_slice %arg2[%run_scoped3A_74, %mul3A_73] : memref<2x320000xi32, #tpu.memory_space<hbm>> -> memref<1x128xi32, #tpu.memory_space<hbm>>
        %dma_start3A_109 = tpu.memref_squeeze %dma_start3A_108 : memref<1x128xi32, #tpu.memory_space<hbm>> -> memref<128xi32, #tpu.memory_space<hbm>>
        %dma_start3A_110 = arith.constant 0 : i32
        %dma_start3A_111 = tpu.memref_slice %arg7[%run_scoped3A_75, %dma_start3A_110] : memref<3x128xi32, #tpu.memory_space<vmem>> -> memref<1x128xi32, #tpu.memory_space<vmem>>
        %dma_start3A_112 = tpu.memref_squeeze %dma_start3A_111 : memref<1x128xi32, #tpu.memory_space<vmem>> -> memref<128xi32, #tpu.memory_space<vmem>>
        %dma_start3A_113 = tpu.memref_slice %arg2[%run_scoped3A_74, %mul3A_73] : memref<2x320000xi32, #tpu.memory_space<hbm>> -> memref<1x128xi32, #tpu.memory_space<hbm>>
        %dma_start3A_114 = tpu.memref_squeeze %dma_start3A_113 : memref<1x128xi32, #tpu.memory_space<hbm>> -> memref<128xi32, #tpu.memory_space<hbm>>
        tpu.enqueue_dma source(%dma_start3A_114 : memref<128xi32, #tpu.memory_space<hbm>>) target(%dma_start3A_112 : memref<128xi32, #tpu.memory_space<vmem>>) target_semaphore(%run_scoped3A_104 : memref<!tpu.dma_semaphore, #tpu.memory_space<semaphore_mem>>)
        %dma_wait3A_115 = arith.constant 0 : i32
        %dma_wait3A_116 = tpu.memref_slice %arg7[%run_scoped3A_75, %dma_wait3A_115] : memref<3x128xi32, #tpu.memory_space<vmem>> -> memref<1x128xi32, #tpu.memory_space<vmem>>
        %dma_wait3A_117 = tpu.memref_squeeze %dma_wait3A_116 : memref<1x128xi32, #tpu.memory_space<vmem>> -> memref<128xi32, #tpu.memory_space<vmem>>
        %dma_wait3A_118 = tpu.memref_slice %arg2[%run_scoped3A_74, %mul3A_73] : memref<2x320000xi32, #tpu.memory_space<hbm>> -> memref<1x128xi32, #tpu.memory_space<hbm>>
        %dma_wait3A_119 = tpu.memref_squeeze %dma_wait3A_118 : memref<1x128xi32, #tpu.memory_space<hbm>> -> memref<128xi32, #tpu.memory_space<hbm>>
        %dma_wait3A_120 = arith.constant 0 : i32
        %dma_wait3A_121 = tpu.memref_slice %arg7[%run_scoped3A_75, %dma_wait3A_120] : memref<3x128xi32, #tpu.memory_space<vmem>> -> memref<1x128xi32, #tpu.memory_space<vmem>>
        %dma_wait3A_122 = tpu.memref_squeeze %dma_wait3A_121 : memref<1x128xi32, #tpu.memory_space<vmem>> -> memref<128xi32, #tpu.memory_space<vmem>>
        %dma_wait3A_123 = tpu.memref_slice %arg2[%run_scoped3A_74, %mul3A_73] : memref<2x320000xi32, #tpu.memory_space<hbm>> -> memref<1x128xi32, #tpu.memory_space<hbm>>
        %dma_wait3A_124 = tpu.memref_squeeze %dma_wait3A_123 : memref<1x128xi32, #tpu.memory_space<hbm>> -> memref<128xi32, #tpu.memory_space<hbm>>
        tpu.wait_dma2 semaphore(%run_scoped3A_104 : memref<!tpu.dma_semaphore, #tpu.memory_space<semaphore_mem>>) src(%dma_wait3A_124 : memref<128xi32, #tpu.memory_space<hbm>>) dst(%dma_wait3A_122 : memref<128xi32, #tpu.memory_space<vmem>>)
        tpu.yield
      }) : () -> ()
      %dma_start3A_76 = arith.constant 0 : i32
      %dma_start3A_77 = arith.constant 0 : i32
      %dma_start3A_78 = arith.constant 0 : i32
      %dma_start3A_79 = arith.constant 0 : i32
      %dma_start3A_80 = tpu.memref_slice %arg9[%dma_start3A_77, %dma_start3A_78, %dma_start3A_79] : memref<2x128x128xf32, #tpu.memory_space<vmem>> -> memref<1x128x128xf32, #tpu.memory_space<vmem>>
      %dma_start3A_81 = tpu.memref_squeeze %dma_start3A_80 : memref<1x128x128xf32, #tpu.memory_space<vmem>> -> memref<128x128xf32, #tpu.memory_space<vmem>>
      %dma_start3A_82 = arith.constant 0 : i32
      %dma_start3A_83 = tpu.memref_slice %arg7[%dma_start3A_76, %dma_start3A_82] : memref<3x128xi32, #tpu.memory_space<vmem>> -> memref<1x128xi32, #tpu.memory_space<vmem>>
      %dma_start3A_84 = tpu.memref_squeeze %dma_start3A_83 : memref<1x128xi32, #tpu.memory_space<vmem>> -> memref<128xi32, #tpu.memory_space<vmem>>
      %dma_start3A_85 = arith.constant 0 : i32
      %dma_start3A_86 = arith.constant 0 : i32
      %dma_start3A_87 = tpu.memref_slice %arg4[%dma_start3A_85, %dma_start3A_86] : memref<10240x128xf32, #tpu.memory_space<hbm>> -> memref<10240x128xf32, #tpu.memory_space<hbm>>
      tpu.enqueue_indirect_dma source(%dma_start3A_87 : memref<10240x128xf32, #tpu.memory_space<hbm>>) target(%dma_start3A_81 : memref<128x128xf32, #tpu.memory_space<vmem>>) offsets(%dma_start3A_84 : memref<128xi32, #tpu.memory_space<vmem>>) semaphore(%arg14 : memref<!tpu.dma_semaphore, #tpu.memory_space<semaphore_mem>>)
      %dma_wait3A = arith.constant 0 : i32
      %dma_wait3A_88 = arith.constant 0 : i32
      %dma_wait3A_89 = arith.constant 0 : i32
      %dma_wait3A_90 = tpu.memref_slice %arg9[%dma_wait3A, %dma_wait3A_88, %dma_wait3A_89] : memref<2x128x128xf32, #tpu.memory_space<vmem>> -> memref<1x128x128xf32, #tpu.memory_space<vmem>>
      %dma_wait3A_91 = tpu.memref_squeeze %dma_wait3A_90 : memref<1x128x128xf32, #tpu.memory_space<vmem>> -> memref<128x128xf32, #tpu.memory_space<vmem>>
      %dma_wait3A_92 = arith.constant 0 : i32
      %dma_wait3A_93 = arith.constant 0 : i32
      %dma_wait3A_94 = tpu.memref_slice %arg4[%dma_wait3A_92, %dma_wait3A_93] : memref<10240x128xf32, #tpu.memory_space<hbm>> -> memref<128x128xf32, #tpu.memory_space<hbm>>
      %dma_wait3A_95 = arith.constant 0 : i32
      %dma_wait3A_96 = arith.constant 0 : i32
      %dma_wait3A_97 = tpu.memref_slice %arg9[%dma_wait3A, %dma_wait3A_95, %dma_wait3A_96] : memref<2x128x128xf32, #tpu.memory_space<vmem>> -> memref<1x128x128xf32, #tpu.memory_space<vmem>>
      %dma_wait3A_98 = tpu.memref_squeeze %dma_wait3A_97 : memref<1x128x128xf32, #tpu.memory_space<vmem>> -> memref<128x128xf32, #tpu.memory_space<vmem>>
      %dma_wait3A_99 = arith.constant 0 : i32
      %dma_wait3A_100 = arith.constant 0 : i32
      %dma_wait3A_101 = tpu.memref_slice %arg4[%dma_wait3A_99, %dma_wait3A_100] : memref<10240x128xf32, #tpu.memory_space<hbm>> -> memref<128x128xf32, #tpu.memory_space<hbm>>
      tpu.wait_dma2 semaphore(%arg14 : memref<!tpu.dma_semaphore, #tpu.memory_space<semaphore_mem>>) src(%dma_wait3A_101 : memref<128x128xf32, #tpu.memory_space<hbm>>) dst(%dma_wait3A_98 : memref<128x128xf32, #tpu.memory_space<vmem>>)
      %run_scoped3A_102 = arith.constant 0 : i32
      %run_scoped3A_103 = arith.constant 78 : i32
      "tpu.region"() ({
        %run_scoped3A_104 = tpu.sem_alloc : memref<!tpu.dma_semaphore, #tpu.memory_space<semaphore_mem>>
        %dma_start3A_105 = arith.constant 0 : i32
        %dma_start3A_106 = arith.constant 0 : i32
        %dma_start3A_107 = tpu.memref_slice %arg9[%run_scoped3A_102, %dma_start3A_105, %dma_start3A_106] : memref<2x128x128xf32, #tpu.memory_space<vmem>> -> memref<1x128x128xf32, #tpu.memory_space<vmem>>
        %dma_start3A_108 = tpu.memref_squeeze %dma_start3A_107 : memref<1x128x128xf32, #tpu.memory_space<vmem>> -> memref<128x128xf32, #tpu.memory_space<vmem>>
        %dma_start3A_109 = arith.constant 0 : i32
        %dma_start3A_110 = tpu.memref_slice %arg8[%run_scoped3A_103, %dma_start3A_109] : memref<79x128xi32, #tpu.memory_space<vmem>> -> memref<1x128xi32, #tpu.memory_space<vmem>>
        %dma_start3A_111 = tpu.memref_squeeze %dma_start3A_110 : memref<1x128xi32, #tpu.memory_space<vmem>> -> memref<128xi32, #tpu.memory_space<vmem>>
        %dma_start3A_112 = arith.constant 0 : i32
        %dma_start3A_113 = arith.constant 0 : i32
        %dma_start3A_114 = tpu.memref_slice %arg10[%dma_start3A_112, %dma_start3A_113] : memref<10240x128xf32, #tpu.memory_space<vmem_shared>> -> memref<10240x128xf32, #tpu.memory_space<vmem_shared>>
        tpu.enqueue_indirect_dma source(%dma_start3A_108 : memref<128x128xf32, #tpu.memory_space<vmem>>) target(%dma_start3A_114 : memref<10240x128xf32, #tpu.memory_space<vmem_shared>>) offsets(%dma_start3A_111 : memref<128xi32, #tpu.memory_space<vmem>>) semaphore(%run_scoped3A_104 : memref<!tpu.dma_semaphore, #tpu.memory_space<semaphore_mem>>) {add = true}
        %dma_wait3A_115 = arith.constant 0 : i32
        %dma_wait3A_116 = arith.constant 0 : i32
        %dma_wait3A_117 = tpu.memref_slice %arg9[%run_scoped3A_102, %dma_wait3A_115, %dma_wait3A_116] : memref<2x128x128xf32, #tpu.memory_space<vmem>> -> memref<1x128x128xf32, #tpu.memory_space<vmem>>
        %dma_wait3A_118 = tpu.memref_squeeze %dma_wait3A_117 : memref<1x128x128xf32, #tpu.memory_space<vmem>> -> memref<128x128xf32, #tpu.memory_space<vmem>>
        %dma_wait3A_119 = arith.constant 0 : i32
        %dma_wait3A_120 = tpu.memref_slice %arg8[%run_scoped3A_103, %dma_wait3A_119] : memref<79x128xi32, #tpu.memory_space<vmem>> -> memref<1x128xi32, #tpu.memory_space<vmem>>
        %dma_wait3A_121 = tpu.memref_squeeze %dma_wait3A_120 : memref<1x128xi32, #tpu.memory_space<vmem>> -> memref<128xi32, #tpu.memory_space<vmem>>
        %dma_wait3A_122 = arith.constant 0 : i32
        %dma_wait3A_123 = arith.constant 0 : i32
        %dma_wait3A_124 = tpu.memref_slice %arg10[%dma_wait3A_122, %dma_wait3A_123] : memref<10240x128xf32, #tpu.memory_space<vmem_shared>> -> memref<10240x128xf32, #tpu.memory_space<vmem_shared>>
        tpu.wait_indirect_dma semaphore(%run_scoped3A_104 : memref<!tpu.dma_semaphore, #tpu.memory_space<semaphore_mem>>) src(%dma_wait3A_118 : memref<128x128xf32, #tpu.memory_space<vmem>>) dst(%dma_wait3A_124 : memref<10240x128xf32, #tpu.memory_space<vmem_shared>>)
        tpu.yield
      }) : () -> ()
    } else {
    }
    %barrier3A_65 = arith.constant 0 : index
    tpu.barrier barrier_id(%barrier3A_65)
    %mul3A_66 = arith.constant 640 : i32
    %mul3A_67 = arith.muli %arg1, %mul3A_66 : i32
    %mul3A_68 = arith.constant 640 : i32
    %mul3A_69 = arith.muli %arg1, %mul3A_68 : i32
    "tpu.region"() ({
      %run_scoped3A_70 = tpu.sem_alloc : memref<!tpu.dma_semaphore, #tpu.memory_space<semaphore_mem>>
      %dma_start3A_71 = arith.constant 0 : i32
      %dma_start3A_72 = tpu.memref_slice %arg6[%arg0, %mul3A_69, %dma_start3A_71] : memref<2x10240x128xf32, #tpu.memory_space<hbm>> -> memref<1x640x128xf32, #tpu.memory_space<hbm>>
      %dma_start3A_73 = tpu.memref_squeeze %dma_start3A_72 : memref<1x640x128xf32, #tpu.memory_space<hbm>> -> memref<640x128xf32, #tpu.memory_space<hbm>>
      %dma_start3A_74 = arith.constant 0 : i32
      %dma_start3A_75 = tpu.memref_slice %arg10[%mul3A_67, %dma_start3A_74] : memref<10240x128xf32, #tpu.memory_space<vmem_shared>> -> memref<640x128xf32, #tpu.memory_space<vmem_shared>>
      tpu.enqueue_dma source(%dma_start3A_75 : memref<640x128xf32, #tpu.memory_space<vmem_shared>>) target(%dma_start3A_73 : memref<640x128xf32, #tpu.memory_space<hbm>>) target_semaphore(%run_scoped3A_70 : memref<!tpu.dma_semaphore, #tpu.memory_space<semaphore_mem>>)
      %dma_wait3A = arith.constant 0 : i32
      %dma_wait3A_76 = tpu.memref_slice %arg6[%arg0, %mul3A_69, %dma_wait3A] : memref<2x10240x128xf32, #tpu.memory_space<hbm>> -> memref<1x640x128xf32, #tpu.memory_space<hbm>>
      %dma_wait3A_77 = tpu.memref_squeeze %dma_wait3A_76 : memref<1x640x128xf32, #tpu.memory_space<hbm>> -> memref<640x128xf32, #tpu.memory_space<hbm>>
      %dma_wait3A_78 = arith.constant 0 : i32
      %dma_wait3A_79 = tpu.memref_slice %arg10[%mul3A_67, %dma_wait3A_78] : memref<10240x128xf32, #tpu.memory_space<vmem_shared>> -> memref<640x128xf32, #tpu.memory_space<vmem_shared>>
      tpu.wait_dma2 semaphore(%run_scoped3A_70 : memref<!tpu.dma_semaphore, #tpu.memory_space<semaphore_mem>>) src(%dma_wait3A_79 : memref<640x128xf32, #tpu.memory_space<vmem_shared>>) dst(%dma_wait3A_77 : memref<640x128xf32, #tpu.memory_space<hbm>>)
      tpu.yield
    }) : () -> ()
    return
  }
}

module attributes {stable_mosaic.version = 14 : i64} {
  func.func @_hs_body(%arg0: i32, %arg1: memref<2x1024x1xf32, #tpu.memory_space<vmem>>, %arg2: memref<1024x128xf32, #tpu.memory_space<vmem>>, %arg3: memref<128x128xf32, #tpu.memory_space<vmem>>, %arg4: memref<1024x128xf32, #tpu.memory_space<vmem>>) attributes {dimension_semantics = [#tpu.dimension_semantics<arbitrary>], iteration_bounds = array<i64: 10>, scalar_prefetch = 0 : i64, scratch_operands = 0 : i64, tpu.core_type = #tpu.core_type<tc>, window_params = [{transform_indices = @transform_0, window_bounds = array<i64: 2, 1024, 1>}, {transform_indices = @transform_1, window_bounds = array<i64: 1024, 128>}, {pipeline_mode = #tpu.pipeline_mode<synchronous>, transform_indices = @transform_2, window_bounds = array<i64: 128, 128>}, {transform_indices = @transform_3, window_bounds = array<i64: 1024, 128>}]} {
    %get3A = arith.constant 0 : index
    %get3A_0 = arith.constant 0 : index
    %get3A_1 = arith.constant 0 : index
    %get3A_2 = vector.load %arg1[%get3A, %get3A_0, %get3A_1] : memref<2x1024x1xf32, #tpu.memory_space<vmem>>, vector<2x1024x1xf32>
    %slice3A = vector.extract_strided_slice %get3A_2 {offsets = [0, 0, 0], sizes = [1, 1024, 1], strides = [1, 1, 1]} : vector<2x1024x1xf32> to vector<1x1024x1xf32>
    %squeeze3A = vector.shape_cast %slice3A : vector<1x1024x1xf32> to vector<1024x1xf32>
    %slice3A_3 = vector.extract_strided_slice %get3A_2 {offsets = [1, 0, 0], sizes = [1, 1024, 1], strides = [1, 1, 1]} : vector<2x1024x1xf32> to vector<1x1024x1xf32>
    %squeeze3A_4 = vector.shape_cast %slice3A_3 : vector<1x1024x1xf32> to vector<1024x1xf32>
    %add3A = arith.addf %squeeze3A, %squeeze3A_4 : vector<1024x1xf32>
    %add3A_5 = arith.constant 1.000000e+00 : f32
    %add3A_6 = vector.broadcast %add3A_5 : f32 to vector<1024x1xf32>
    %add3A_7 = arith.addf %add3A, %add3A_6 : vector<1024x1xf32>
    %rsqrt3A = math.rsqrt %add3A_7 : vector<1024x1xf32>
    %get3A_8 = arith.constant 0 : index
    %get3A_9 = arith.constant 0 : index
    %get3A_10 = vector.load %arg2[%get3A_8, %get3A_9] : memref<1024x128xf32, #tpu.memory_space<vmem>>, vector<1024x128xf32>
    %get3A_11 = arith.constant 0 : index
    %get3A_12 = arith.constant 0 : index
    %get3A_13 = vector.load %arg3[%get3A_11, %get3A_12] : memref<128x128xf32, #tpu.memory_space<vmem>>, vector<128x128xf32>
    %dot_general3A = arith.constant dense<0.000000e+00> : vector<1024x128xf32>
    %dot_general3A_14 = tpu.matmul %get3A_10, %get3A_13, %dot_general3A {dimension_numbers = #tpu.dot_dimension_numbers<[1], [1], [0], [0], [0, 0, 1, 0], [], []>, transpose_lhs_hint = false} : vector<1024x128xf32>, vector<128x128xf32>, vector<1024x128xf32> -> vector<1024x128xf32>
    %mul3A = vector.broadcast %rsqrt3A : vector<1024x1xf32> to vector<1024x128xf32>
    %mul3A_15 = arith.mulf %dot_general3A_14, %mul3A : vector<1024x128xf32>
    %swap3A = arith.constant 0 : index
    %swap3A_16 = arith.constant 0 : index
    %swap3A_17 = vector.load %arg4[%swap3A, %swap3A_16] : memref<1024x128xf32, #tpu.memory_space<vmem>>, vector<1024x128xf32>
    tpu.vector_store %arg4[%swap3A, %swap3A_16], %mul3A_15 {strides = array<i32>} : memref<1024x128xf32, #tpu.memory_space<vmem>>, vector<1024x128xf32>,
    return
  }
  func.func @transform_0(%arg0: i32) -> (i32, i32, i32) {
    %c0_i32 = arith.constant 0 : i32
    %c0_i32_0 = arith.constant 0 : i32
    %c0_i32_1 = arith.constant 0 : i32
    return %c0_i32, %arg0, %c0_i32_0 : i32, i32, i32
  }
  func.func @transform_1(%arg0: i32) -> (i32, i32) {
    %c0_i32 = arith.constant 0 : i32
    %c0_i32_0 = arith.constant 0 : i32
    return %arg0, %c0_i32 : i32, i32
  }
  func.func @transform_2(%arg0: i32) -> (i32, i32) {
    %c0_i32 = arith.constant 0 : i32
    %c0_i32_0 = arith.constant 0 : i32
    %c0_i32_1 = arith.constant 0 : i32
    return %c0_i32, %c0_i32_0 : i32, i32
  }
  func.func @transform_3(%arg0: i32) -> (i32, i32) {
    %c0_i32 = arith.constant 0 : i32
    %c0_i32_0 = arith.constant 0 : i32
    return %arg0, %c0_i32 : i32, i32
  }
}

module attributes {stable_mosaic.version = 14 : i64} {
  func.func @body(%arg0: i32, %arg1: memref<2x1024x1xf32, #tpu.memory_space<vmem>>, %arg2: memref<2x1024x128xf32, #tpu.memory_space<vmem>>, %arg3: memref<1x128xf32, #tpu.memory_space<vmem>>, %arg4: memref<1x128xf32, #tpu.memory_space<vmem>>, %arg5: memref<1x1xf32, #tpu.memory_space<vmem>>, %arg6: memref<8x128xf32, #tpu.memory_space<vmem>>, %arg7: memref<1x128xf32, #tpu.memory_space<vmem>>) attributes {dimension_semantics = [#tpu.dimension_semantics<arbitrary>], iteration_bounds = array<i64: 10>, scalar_prefetch = 0 : i64, scratch_operands = 1 : i64, tpu.core_type = #tpu.core_type<tc>, window_params = [{transform_indices = @transform_0, window_bounds = array<i64: 2, 1024, 1>}, {transform_indices = @transform_1, window_bounds = array<i64: 2, 1024, 128>}, {pipeline_mode = #tpu.pipeline_mode<synchronous>, transform_indices = @transform_2, window_bounds = array<i64: 1, 128>}, {pipeline_mode = #tpu.pipeline_mode<synchronous>, transform_indices = @transform_3, window_bounds = array<i64: 1, 128>}, {pipeline_mode = #tpu.pipeline_mode<synchronous>, transform_indices = @transform_4, window_bounds = array<i64: 1, 1>}, {pipeline_mode = #tpu.pipeline_mode<synchronous>, transform_indices = @transform_5, window_bounds = array<i64: 8, 128>}]} {
    %eq3A = arith.constant 0 : i32
    %eq3A_0 = arith.cmpi eq, %arg0, %eq3A : i32
    %convert_element_type3A = arith.extui %eq3A_0 : i1 to i32
    %cond3A = arith.constant 0 : i32
    %cond3A_1 = arith.cmpi ne, %convert_element_type3A, %cond3A : i32
    scf.if %cond3A_1 {
      %broadcast_in_dim3A_46 = arith.constant 0.000000e+00 : f32
      %broadcast_in_dim3A_47 = vector.broadcast %broadcast_in_dim3A_46 : f32 to vector<1x128xf32>
      %swap3A_48 = arith.constant 0 : index
      %swap3A_49 = arith.constant 0 : index
      %swap3A_50 = vector.load %arg7[%swap3A_48, %swap3A_49] : memref<1x128xf32, #tpu.memory_space<vmem>>, vector<1x128xf32>
      tpu.vector_store %arg7[%swap3A_48, %swap3A_49], %broadcast_in_dim3A_47 {strides = array<i32>} : memref<1x128xf32, #tpu.memory_space<vmem>>, vector<1x128xf32>,
    } else {
    }
    %get3A = arith.constant 0 : index
    %get3A_2 = arith.constant 0 : index
    %get3A_3 = arith.constant 0 : index
    %get3A_4 = vector.load %arg1[%get3A, %get3A_2, %get3A_3] : memref<2x1024x1xf32, #tpu.memory_space<vmem>>, vector<2x1024x1xf32>
    %slice3A = vector.extract_strided_slice %get3A_4 {offsets = [0, 0, 0], sizes = [1, 1024, 1], strides = [1, 1, 1]} : vector<2x1024x1xf32> to vector<1x1024x1xf32>
    %squeeze3A = vector.shape_cast %slice3A : vector<1x1024x1xf32> to vector<1024x1xf32>
    %slice3A_5 = vector.extract_strided_slice %get3A_4 {offsets = [1, 0, 0], sizes = [1, 1024, 1], strides = [1, 1, 1]} : vector<2x1024x1xf32> to vector<1x1024x1xf32>
    %squeeze3A_6 = vector.shape_cast %slice3A_5 : vector<1x1024x1xf32> to vector<1024x1xf32>
    %add3A = arith.addf %squeeze3A, %squeeze3A_6 : vector<1024x1xf32>
    %add3A_7 = arith.constant 1.000000e+00 : f32
    %add3A_8 = vector.broadcast %add3A_7 : f32 to vector<1024x1xf32>
    %add3A_9 = arith.addf %add3A, %add3A_8 : vector<1024x1xf32>
    %rsqrt3A = math.rsqrt %add3A_9 : vector<1024x1xf32>
    %get3A_10 = arith.constant 0 : index
    %get3A_11 = arith.constant 0 : index
    %get3A_12 = arith.constant 0 : index
    %get3A_13 = vector.load %arg2[%get3A_10, %get3A_11, %get3A_12] : memref<2x1024x128xf32, #tpu.memory_space<vmem>>, vector<2x1024x128xf32>
    %slice3A_14 = vector.extract_strided_slice %get3A_13 {offsets = [0, 0, 0], sizes = [1, 1024, 128], strides = [1, 1, 1]} : vector<2x1024x128xf32> to vector<1x1024x128xf32>
    %squeeze3A_15 = vector.shape_cast %slice3A_14 : vector<1x1024x128xf32> to vector<1024x128xf32>
    %slice3A_16 = vector.extract_strided_slice %get3A_13 {offsets = [1, 0, 0], sizes = [1, 1024, 128], strides = [1, 1, 1]} : vector<2x1024x128xf32> to vector<1x1024x128xf32>
    %squeeze3A_17 = vector.shape_cast %slice3A_16 : vector<1x1024x128xf32> to vector<1024x128xf32>
    %add3A_18 = arith.addf %squeeze3A_15, %squeeze3A_17 : vector<1024x128xf32>
    %mul3A = vector.broadcast %rsqrt3A : vector<1024x1xf32> to vector<1024x128xf32>
    %mul3A_19 = arith.mulf %add3A_18, %mul3A : vector<1024x128xf32>
    %get3A_20 = arith.constant 0 : index
    %get3A_21 = arith.constant 0 : index
    %get3A_22 = vector.load %arg3[%get3A_20, %get3A_21] : memref<1x128xf32, #tpu.memory_space<vmem>>, vector<1x128xf32>
    %add3A_23 = vector.broadcast %get3A_22 : vector<1x128xf32> to vector<1024x128xf32>
    %add3A_24 = arith.addf %mul3A_19, %add3A_23 : vector<1024x128xf32>
    %max3A = arith.constant 0.000000e+00 : f32
    %max3A_25 = vector.broadcast %max3A : f32 to vector<1024x128xf32>
    %max3A_26 = arith.maximumf %add3A_24, %max3A_25 : vector<1024x128xf32>
    %iota3A = tpu.iota {dimensions = array<i32: 0>} : vector<1024x128xi32>
    %mul3A_27 = arith.constant 1024 : i32
    %mul3A_28 = arith.muli %arg0, %mul3A_27 : i32
    %add3A_29 = vector.broadcast %mul3A_28 : i32 to vector<1024x128xi32>
    %add3A_30 = arith.addi %iota3A, %add3A_29 : vector<1024x128xi32>
    %lt3A = arith.constant 10000 : i32
    %lt3A_31 = vector.broadcast %lt3A : i32 to vector<1024x128xi32>
    %lt3A_32 = arith.cmpi slt, %add3A_30, %lt3A_31 : vector<1024x128xi32>
    %jit3A = arith.constant 0.000000e+00 : f32
    %broadcast_in_dim3A = vector.broadcast %jit3A : f32 to vector<1024x128xf32>
    %select_n3A = arith.select %lt3A_32, %max3A_26, %broadcast_in_dim3A : vector<1024x128xi1>, vector<1024x128xf32>
    %get3A_33 = arith.constant 0 : index
    %get3A_34 = arith.constant 0 : index
    %get3A_35 = vector.load %arg7[%get3A_33, %get3A_34] : memref<1x128xf32, #tpu.memory_space<vmem>>, vector<1x128xf32>
    %reduce_sum3A = arith.constant dense<0.000000e+00> : vector<128xf32>
    %reduce_sum3A_36 = vector.multi_reduction <add>, %select_n3A, %reduce_sum3A [0] : vector<1024x128xf32> to vector<128xf32>
    %broadcast_in_dim3A_37 = vector.shape_cast %reduce_sum3A_36 : vector<128xf32> to vector<1x128xf32>
    %add3A_38 = arith.addf %get3A_35, %broadcast_in_dim3A_37 : vector<1x128xf32>
    %swap3A = arith.constant 0 : index
    %swap3A_39 = arith.constant 0 : index
    %swap3A_40 = vector.load %arg7[%swap3A, %swap3A_39] : memref<1x128xf32, #tpu.memory_space<vmem>>, vector<1x128xf32>
    tpu.vector_store %arg7[%swap3A, %swap3A_39], %add3A_38 {strides = array<i32>} : memref<1x128xf32, #tpu.memory_space<vmem>>, vector<1x128xf32>,
    %eq3A_41 = arith.constant 9 : i32
    %eq3A_42 = arith.cmpi eq, %arg0, %eq3A_41 : i32
    %convert_element_type3A_43 = arith.extui %eq3A_42 : i1 to i32
    %cond3A_44 = arith.constant 0 : i32
    %cond3A_45 = arith.cmpi ne, %convert_element_type3A_43, %cond3A_44 : i32
    scf.if %cond3A_45 {
      %get3A_46 = arith.constant 0 : index
      %get3A_47 = arith.constant 0 : index
      %get3A_48 = vector.load %arg7[%get3A_46, %get3A_47] : memref<1x128xf32, #tpu.memory_space<vmem>>, vector<1x128xf32>
      %mul3A_49 = arith.constant 9.99999974E-5 : f32
      %mul3A_50 = vector.broadcast %mul3A_49 : f32 to vector<1x128xf32>
      %mul3A_51 = arith.mulf %get3A_48, %mul3A_50 : vector<1x128xf32>
      %get3A_52 = arith.constant 0 : index
      %get3A_53 = arith.constant 0 : index
      %get3A_54 = vector.load %arg4[%get3A_52, %get3A_53] : memref<1x128xf32, #tpu.memory_space<vmem>>, vector<1x128xf32>
      %mul3A_55 = arith.mulf %mul3A_51, %get3A_54 : vector<1x128xf32>
      %reduce_sum3A_56 = arith.constant dense<0.000000e+00> : vector<1xf32>
      %reduce_sum3A_57 = vector.multi_reduction <add>, %mul3A_55, %reduce_sum3A_56 [1] : vector<1x128xf32> to vector<1xf32>
      %broadcast_in_dim3A_58 = vector.shape_cast %reduce_sum3A_57 : vector<1xf32> to vector<1x1xf32>
      %get3A_59 = arith.constant 0 : index
      %get3A_60 = arith.constant 0 : index
      %get3A_61 = vector.load %arg5[%get3A_59, %get3A_60] : memref<1x1xf32, #tpu.memory_space<vmem>>, vector<1x1xf32>
      %add3A_62 = arith.addf %broadcast_in_dim3A_58, %get3A_61 : vector<1x1xf32>
      %neg3A = arith.constant 0.000000e+00 : f32
      %neg3A_63 = vector.broadcast %neg3A : f32 to vector<1x1xf32>
      %neg3A_64 = arith.subf %neg3A_63, %add3A_62 : vector<1x1xf32>
      %exp3A = math.exp %neg3A_64 : vector<1x1xf32>
      %add3A_65 = arith.constant 1.000000e+00 : f32
      %add3A_66 = vector.broadcast %add3A_65 : f32 to vector<1x1xf32>
      %add3A_67 = arith.addf %add3A_66, %exp3A : vector<1x1xf32>
      %div3A = arith.constant 1.000000e+00 : f32
      %div3A_68 = vector.broadcast %div3A : f32 to vector<1x1xf32>
      %div3A_69 = arith.divf %div3A_68, %add3A_67 : vector<1x1xf32>
      %broadcast_in_dim3A_70 = vector.shape_cast %div3A_69 : vector<1x1xf32> to vector<1x1xf32>
      %broadcast_in_dim3A_71 = vector.broadcast %broadcast_in_dim3A_70 : vector<1x1xf32> to vector<8x128xf32>
      %swap3A_72 = arith.constant 0 : index
      %swap3A_73 = arith.constant 0 : index
      %swap3A_74 = vector.load %arg6[%swap3A_72, %swap3A_73] : memref<8x128xf32, #tpu.memory_space<vmem>>, vector<8x128xf32>
      tpu.vector_store %arg6[%swap3A_72, %swap3A_73], %broadcast_in_dim3A_71 {strides = array<i32>} : memref<8x128xf32, #tpu.memory_space<vmem>>, vector<8x128xf32>,
    } else {
    }
    return
  }
  func.func @transform_0(%arg0: i32) -> (i32, i32, i32) {
    %c0_i32 = arith.constant 0 : i32
    %c0_i32_0 = arith.constant 0 : i32
    %c0_i32_1 = arith.constant 0 : i32
    return %c0_i32, %arg0, %c0_i32_0 : i32, i32, i32
  }
  func.func @transform_1(%arg0: i32) -> (i32, i32, i32) {
    %c0_i32 = arith.constant 0 : i32
    %c0_i32_0 = arith.constant 0 : i32
    %c0_i32_1 = arith.constant 0 : i32
    return %c0_i32, %arg0, %c0_i32_0 : i32, i32, i32
  }
  func.func @transform_2(%arg0: i32) -> (i32, i32) {
    %c0_i32 = arith.constant 0 : i32
    %c0_i32_0 = arith.constant 0 : i32
    %c0_i32_1 = arith.constant 0 : i32
    return %c0_i32, %c0_i32_0 : i32, i32
  }
  func.func @transform_3(%arg0: i32) -> (i32, i32) {
    %c0_i32 = arith.constant 0 : i32
    %c0_i32_0 = arith.constant 0 : i32
    %c0_i32_1 = arith.constant 0 : i32
    return %c0_i32, %c0_i32_0 : i32, i32
  }
  func.func @transform_4(%arg0: i32) -> (i32, i32) {
    %c0_i32 = arith.constant 0 : i32
    %c0_i32_0 = arith.constant 0 : i32
    %c0_i32_1 = arith.constant 0 : i32
    return %c0_i32, %c0_i32_0 : i32, i32
  }
  func.func @transform_5(%arg0: i32) -> (i32, i32) {
    %c0_i32 = arith.constant 0 : i32
    %c0_i32_0 = arith.constant 0 : i32
    %c0_i32_1 = arith.constant 0 : i32
    return %c0_i32, %c0_i32_0 : i32, i32
  }
}

</mosaic_0001>

<sc_bundles>
// kernel: kernel.6.cloned.1.call-start
scs
__scs_entry_jumppad:
0x0: {  	(pc) =	sbr.rel $0x88, $3  }
0x1: {  	(tag) =	ssettag $0x0;
	lr =	simm.s32 $0x1  }
0x2: {  	[smem:$0x3F9B] =	sst lr;
	_ =	strace $0xD0000000  }
0x3: {  	_ = 	snop  }
0x4: {  	_ = 	snop  }
0x5: {  	_ = 	snop  }
0x6: {  	_ = 	snop  }
0x7: {  	_ = 	snop  }
__scs_overlays_trampoline_lowered:
0x8: {  	[smem:$0x3FAA] =	sst s0  }
0x9: {  	[smem:$0x3FAB] =	sst s1  }
0xa: {  	[smem:$0x3FAC] =	sst s2  }
0xb: {  	[smem:$0x3FAD] =	sst s3  }
0xc: {  	[smem:$0x3FAE] =	sst s4  }
0xd: {  	[smem:$0x3FAF] =	sst s5  }
0xe: {  	[smem:$0x3FB0] =	sst s6  }
0xf: {  	[smem:$0x3FB1] =	sst s7  }
0x10: {  	[smem:$0x3FB2] =	sst s8  }
0x11: {  	[smem:$0x3FB3] =	sst s9;
	s0 =	simm.s32 @!p0 $0x0  }
0x12: {  	s1 =	sld [smem:$0x3F99];
	s0 =	simm.s32 @p0 $0x1  }
0x13: {  	[smem:$0x3FB4] =	sst s0;
	s0 =	simm.s32 @!p1 $0x0  }
0x14: {  	s2 =	sld [smem:$0x3F98];
	s0 =	simm.s32 @p1 $0x1  }
0x15: {  	[smem:$0x3FB5] =	sst s0;
	s0 =	simm.s32 @!p2 $0x0  }
0x16: {  	s3 =	sld [smem:$0x3FDB];
	s0 =	simm.s32 @p2 $0x1  }
0x17: {  	s4 =	simm.s32 $0x1BF5;
	[smem:$0x3FB7] =	sst s0  }
0x18: {  	s0 =	sld [smem:$0x3F9A];
	_ =	swait.ge [sflag:s4], $0x0  }
0x19: {  	s7 =	sld [smem:$0x3F9B]  }
0x1a: {  	s8 =	sadd.s32 $0xFFFFE003, lr  }
0x1b: {  	s9 =	sadd.s32 $0xFFFFFEF7, lr;
	s5 =	simm.s32 $0xFFFFFFFF;
	p2 =	slt.u32 s8, $0xFFFFF086  }
0x1c: {  	p1 =	slt.u32 s9, $0xF7A;
	s5 =	simm.s32 @!p2 $0x0  }
0x1d: {  	s5 =	simm.s32 @p1 $0x1;
	p0 =	seq.s32 s7, s2  }
0x1e: {  	s7 =	smul.u32 @!p0 $0xF7A, s2;
	p2 =	seq.s32 @!p0 s5, $0x0  }
0x1f: {  	s9 =	smul.u32 $0xF7A, s1;
	s8 =	simm.s32 @!p0 $0x1BF5;
	p2 =	por !p2, p0  }
0x20: {  	[sflag:s8] =	ssyncset.s32 @!p0 $0xFFFFF086;
	s6 =	sadd.s32 @!p0 s3, s7;
	s7 =	simm.s32 @!p0 $0x108  }
0x21: {  	s3 =	sadd.s32 s3, s9;
	s6 =	sadd.s32 @!p0 $0x88, s6;
	s7 =	simm.s32 @p2 $0x1082  }
0x22: {  	[simem:s7], [sflag:s8] =	dma.local @!p0 [hbm:s6], $0xF7A  }
0x23: {  	s9 =	sor.u32 $0xD0000000, s2;
	s6 =	simm.s32 $0x108;
	_ =	swait.ge @!p0 [sflag:s8], $0x0  }
0x24: {  	s3 =	sadd.s32 $0x88, s3;
	s6 =	simm.s32 @!p1 $0x1082;
	[sflag:s4] =	ssyncset.s32 $0xFFFFF086  }
0x25: {  	[simem:s6], [sflag:s4] =	dma.local [hbm:s3], $0xF7A  }
0x26: {  	[smem:$0x3F9B] =	sst s1;
	(tag) =	ssettag s2;
	_ =	strace s9  }
0x27: {  	s1 =	sld [smem:$0x3FAB]  }
0x28: {  	s2 =	sld [smem:$0x3FAC]  }
0x29: {  	s4 =	sld [smem:$0x3FAE]  }
0x2a: {  	p0 =	seq.s32 s5, $0x0;
	s5 =	sld [smem:$0x3FAF]  }
0x2b: {  	s6 =	sld [smem:$0x3FB0]  }
0x2c: {  	s7 =	sld [smem:$0x3FB1]  }
0x2d: {  	s3 =	simm.s32 $0x108;
	s8 =	sld [smem:$0x3FB2]  }
0x2e: {  	s3 =	simm.s32 @!p0 $0x1082;
	s9 =	sld [smem:$0x3FB3]  }
0x2f: {  	lr =	sadd.s32 s0, s3;
	s0 =	sld [smem:$0x3FAA]  }
0x30: {  	s3 =	sld [smem:$0x3FAD]  }
0x31: {  	[smem:$0x3FB6] =	sst s10  }
0x32: {  	s10 =	sld [smem:$0x3FB4];
	_ =	sdelay $0x3  }
0x33: {  	p0 =	seq.s32 s10, $0x1;
	s10 =	sld [smem:$0x3FB6];
	_ =	sdelay $0x3  }
0x34: {  	[smem:$0x3FB6] =	sst s10  }
0x35: {  	s10 =	sld [smem:$0x3FB5];
	_ =	sdelay $0x3  }
0x36: {  	p1 =	seq.s32 s10, $0x1;
	s10 =	sld [smem:$0x3FB6];
	_ =	sdelay $0x3  }
0x37: {  	[smem:$0x3FB6] =	sst s10  }
0x38: {  	s10 =	sld [smem:$0x3FB7]  }
0x39: {  	_ = 	snop;
	(pc) =	sbr.ind lr, $3  }
0x3a: {  	_ = 	snop  }
0x3b: {  	_ = 	snop  }
0x3c: {  	p2 =	seq.s32 s10, $0x1;
	s10 =	sld [smem:$0x3FB6]  }
0x3d: {  	_ =	shalt  }
0x3e: {  	_ =	shalt  }
0x3f: {  	_ =	shalt  }
0x40: {  	_ =	shalt  }
0x41: {  	_ =	shalt  }
0x42: {  	_ =	shalt  }
0x43: {  	_ =	shalt  }
0x44: {  	_ =	shalt  }
0x45: {  	_ =	shalt  }
0x46: {  	_ =	shalt  }
0x47: {  	_ =	shalt  }
0x48: {  	_ =	shalt  }
0x49: {  	_ =	shalt  }
0x4a: {  	_ =	shalt  }
0x4b: {  	_ =	shalt  }
0x4c: {  	_ =	shalt  }
0x4d: {  	_ =	shalt  }
0x4e: {  	_ =	shalt  }
0x4f: {  	_ =	shalt  }
0x50: {  	_ =	shalt  }
0x51: {  	_ =	shalt  }
0x52: {  	_ =	shalt  }
0x53: {  	_ =	shalt  }
0x54: {  	_ =	shalt  }
0x55: {  	_ =	shalt  }
0x56: {  	_ =	shalt  }
0x57: {  	_ =	shalt  }
0x58: {  	_ =	shalt  }
0x59: {  	_ =	shalt  }
0x5a: {  	_ =	shalt  }
0x5b: {  	_ =	shalt  }
0x5c: {  	_ =	shalt  }
0x5d: {  	_ =	shalt  }
0x5e: {  	_ =	shalt  }
0x5f: {  	_ =	shalt  }
0x60: {  	_ =	shalt  }
0x61: {  	_ =	shalt  }
0x62: {  	_ =	shalt  }
0x63: {  	_ =	shalt  }
0x64: {  	_ =	shalt  }
0x65: {  	_ =	shalt  }
0x66: {  	_ =	shalt  }
0x67: {  	_ =	shalt  }
0x68: {  	_ =	shalt  }
0x69: {  	_ =	shalt  }
0x6a: {  	_ =	shalt  }
0x6b: {  	_ =	shalt  }
0x6c: {  	_ =	shalt  }
0x6d: {  	_ =	shalt  }
0x6e: {  	_ =	shalt  }
0x6f: {  	_ =	shalt  }
0x70: {  	_ =	shalt  }
0x71: {  	_ =	shalt  }
0x72: {  	_ =	shalt  }
0x73: {  	_ =	shalt  }
0x74: {  	_ =	shalt  }
0x75: {  	_ =	shalt  }
0x76: {  	_ =	shalt  }
0x77: {  	_ =	shalt  }
0x78: {  	_ =	shalt  }
0x79: {  	_ =	shalt  }
0x7a: {  	_ =	shalt  }
0x7b: {  	_ =	shalt  }
0x7c: {  	_ =	shalt  }
0x7d: {  	_ =	shalt  }
0x7e: {  	_ =	shalt  }
0x7f: {  	_ =	shalt  }
0x80: {  	_ =	shalt  }
0x81: {  	_ =	shalt  }
0x82: {  	_ =	shalt  }
0x83: {  	_ =	shalt  }
0x84: {  	_ =	shalt  }
0x85: {  	_ =	shalt  }
0x86: {  	_ =	shalt  }
0x87: {  	_ =	shalt  }
.Lfunc_end0:
.L_simem_size_0:
called_computation_lowered:
.L_overlay_start_0:
0x88: {  	s2 =	sld [smem:$0x3FD9]  }
0x89: {  	s3 =	sld [smem:$0x3FFE];
	_ =	sdelay $0x1  }
0x8a: {  	s1 =	srdreg.scid  }
0x8b: {  	s0 =	sand.u32 $0x1, s1  }
0x8c: {  	s17 =	sshll.u32 s0, $0xA;
	s2 =	sadd.s32 s3, s2  }
0x8d: {  	s2 =	sadd.s32 s2, s17  }
0x8e: {  	[smem:$0x3FC2] =	sst s2  }
0x8f: {  	_ = 	snop  }
0x90: {  	s2 =	sld [smem:$0x3FC8]  }
0x91: {  	s18 =	sld [smem:$0x3FD0];
	(tm) =	ssettm $0x1  }
0x92: {  	s4 =	sld [smem:$0x3FFB];
	_ =	sdelay $0x3  }
0x93: {  	_ =	strace s4  }
0x94: {  	s4 =	sld [smem:$0x3FFC];
	_ =	sdelay $0x3  }
0x95: {  	_ =	strace s4  }
0x96: {  	s4 =	sld [smem:$0x3FFD];
	_ =	sdelay $0x3  }
0x97: {  	_ =	strace s4  }
0x98: {  	_ =	strace $0x8FFFFFFF  }
0x99: {  	s19 =	sld [smem:$0x3FDB];
	_ =	sdelay $0x1  }
0x9a: {  	s5 =	simm.s32 $_scs_section_size  }
0x9b: {  	s6 =	simm.s32 $_size__tile_overlayer_lowered;
	s7 =	simm.s32 $_tile_overlayer_lowered  }
0x9c: {  	s22 =	simm.s32 $0x1BFF;
	s21 =	sshll.u32 s7, $0x1;
	s4 =	sadd.s32 s5, s19  }
0x9d: {  	s8 =	simm.s32 $0x0;
	s20 =	sshll.u32 s6, $0x1;
	s6 =	sadd.s32 s21, s4  }
0x9e: {  	[timem:s8], [sflag:s22] =	dma.local [hbm:s6], s20  }
0x9f: {  	_ =	swait.ge [sflag:s22], s20  }
0xa0: {  	s5 =	ssub.s32 $0x0, s20;
	[sflag:s22] =	ssyncset.done $0x0  }
0xa1: {  	[sflag:s22] =	ssyncadd.s32 s5;
	_ =	sdelay $0x1  }
0xa2: {  	s23 =	simm.s32 $0x1B8B  }
0xa3: {  	_ =	swait.ge [sflag:s23], $0x1  }
0xa4: {  	[sflag:s23] =	ssyncset.done $0x0  }
0xa5: {  	s25 =	simm.s32 $0x1B8E;
	s24 =	sld [smem:$0x3FFE];
	[sflag:s23] =	ssyncadd.s32 $0xFFFFFFFF  }
0xa6: {  	s26 =	simm.s32 $execute0_lowered;
	[smem:$0x3FD2] =	sst s25  }
0xa7: {  	s6 =	sshll.u32 s26, $0x1;
	_ =	strace $0x80000046;
	[dreg:$0x1] =	wrdreg $0xFFFFFFFF  }
0xa8: {  	s28 =	simm.s32 $_size_execute0_lowered;
	s4 =	sadd.s32 s4, s6;
	[dreg:$0x0] =	wrdreg $0x0  }
0xa9: {  	s6 =	sshll.u32 s28, $0x1;
	[dreg:$0x2] =	wrdreg s4  }
0xaa: {  	[dreg:$0x3] =	wrdreg s6  }
0xab: {  	[dreg:$0x4] =	wrdreg $0xC0  }
0xac: {  	_ =	task [dreg:s8], $0x5FFFF  }
0xad: {  	[dreg:$0x1] =	wrdreg $0xFFFFFFFF  }
0xae: {  	[dreg:$0x0] =	wrdreg $0x60  }
0xaf: {  	[dreg:$0x2] =	wrdreg s2  }
0xb0: {  	[dreg:$0x3] =	wrdreg s24  }
0xb1: {  	[dreg:$0x4] =	wrdreg s18  }
0xb2: {  	[dreg:$0x5] =	wrdreg $0x28800  }
0xb3: {  	[dreg:$0x6] =	wrdreg $0x9  }
0xb4: {  	_ =	task.clear_ibuf [dreg:s8], $0x7FFFF;
	_ =	strace $0x90000046  }
0xb5: {  	s29 =	simm.s32 $0x9;
	_ =	strace $0x80000048  }
0xb6: {  	_ =	swait.ge [sflag:s29], $0x1  }
0xb7: {  	[sflag:s29] =	ssyncadd.s32 $0xFFFFFFFF  }
0xb8: {  	_ =	strace $0x90000048  }
0xb9: {  	_ =	sfence  }
0xba: {  	s30 =	sld [smem:$0x0];
	_ =	sdelay $0x2  }
0xbb: {  	s31 =	sshll.u32 s1, $0xD;
	s1 =	sshrl.u32 s1, $0x2  }
0xbc: {  	s3 =	sand.u32 $0x4000, s31;
	s1 =	sadd.s32 s1, s30  }
0xbd: {  	s0 =	sor.u32 s3, s0;
	s1 =	sshll.u32 s1, $0x11  }
0xbe: {  	s0 =	sor.u32 s1, s0  }
0xbf: {  	s0 =	sadd.s32 $0x8F2B, s0  }
0xc0: {  	[sflag:s0] =	ssyncadd.remote.s32 $0x1  }
0xc1: {  	_ =	sfence.sel $0xFFFF  }
0xc2: {  	[dreg:$0x0] =	wrdreg $0xFFFFFFFF;
	(pc) =	sbr.abs _section_cstart, $3  }
0xc3: {  	[dreg:$0x1] =	wrdreg $0xFFFFFFFF  }
0xc4: {  	_ =	task.clear_ibuf [dreg:s8], $0x2FFFF;
	_ =	strace $0x9FFFFFFF  }
0xc5: {  	(tm) =	ssettm $0x7FFFFFFF  }
tec
execute0_lowered:
.L_overlay_start_1:
0x0: {  	(tag) =	ssettag $0x1  }
0x1: {  	s6 =	rddreg [dreg:$0x0]  }
0x2: {  	s7 =	rddreg [dreg:$0x1]  }
0x3: {  	s1 =	srdreg.scid;
	s2 =	rddreg [dreg:$0x2]  }
0x4: {  	s0 =	stileid.u32;
	s3 =	rddreg [dreg:$0x3];
	s4 =	simm.s32 $0x0  }
0x5: {  	s14 =	simm.s32 $0x80;
	s15 =	simm.s32 $0x1;
	s16 =	simm.s32 $0x0  }
0x6: {  	s5 =	sand.u32 $0x1, s1;
	s26 =	sshll.u32 s0, $0x1;
	s1 =	rddreg [dreg:$0x4]  }
0x7: {  	s10 =	smul.u32 $0x280, s0;
	[smem:$0x7FF] =	sst s4;
	s30 =	sshll.u32 s0, $0x6  }
0x8: {  	p0 =	sgt.u32 s0, $0x1;
	s8 =	sor.u32 s5, s26;
	s11 =	smul.u32 $0x2800, s5  }
0x9: {  	_ =	strace $0x80000047;
	s12 =	ssub.s32 $0x2, s5;
	s5 =	sadd.s32 $0xB600, s7  }
0xa: {  	s9 =	smul.u32 $0x500, s8;
	s13 =	sshrl.u32 s12, $0x1;
	s28 =	sshll.u32 s8, $0x5  }
0xb: {  	s29 =	sadd.s32 s10, s3;
	s11 =	sadd.s32 s10, s11;
	s12 =	ssub.s32 s12, s13  }
0xc: {  	s31 =	sadd.s32 s28, s6;
	s6 =	sor.u32 $0x1C02, s30;
	s13 =	simm.s32 $0x2800  }
0xd: {  	s9 =	sadd.s32 s9, s7;
	s11 =	sshrl.u32 s11, $0x3;
	s8 =	sadd.s32 $0x13810, s31  }
0xe: {  	s10 =	smax.u32 s12, $0x1;
	s12 =	simm.s32 $0x2;
	s11 =	sadd.s32 s11, s7  }
0xf: {  	s7 =	sadd.s32 $0x1600, s9;
	s9 =	sadd.s32 $0xB800, s11;
	s11 =	sshrl.u32 s29, $0x3  }
.LBB2_1:
0x10: {  	[spmem:s11], [sflag:s6] =	dma.local [hbm:s5], $0x50  }
0x11: {  	_ =	swait.ge [sflag:s12], $0x50  }
0x12: {  	[sflag:s12] =	ssyncset.done $0x0  }
0x13: {  	[sflag:s12] =	ssyncadd.s32 $0xFFFFFFB0  }
0x14: {  	[tilespmem:s13], [sflag:$0x2] =	stream.linear.gather [hbm4b:s2+s4], $0x80, $0x38;
	[tilespmem:$0x2B00] =	vst v63  }
0x15: {  	_ =	swait.ge [sflag:s12], $0x80  }
0x16: {  	[sflag:s12] =	ssyncset.done $0x0  }
0x17: {  	[sflag:s12] =	ssyncadd.s32 $0xFFFFFF80  }
0x18: {  	[tilespmem:s4], [sflag:$0x2] =	stream.linear.gather [hbm4b:s7+s4], $0x2700, $0x38;
	[tilespmem:$0x2B00] =	vst v63  }
0x19: {  	_ =	swait.ge [sflag:s12], $0x2700  }
0x1a: {  	[sflag:s12] =	ssyncset.done $0x0  }
0x1b: {  	s17 =	simm.s32 @!p0 $0x0;
	s18 =	simm.s32 @!p0 $0x2700;
	[sflag:s12] =	ssyncadd.s32 $0xFFFFD900  }
0x1c: {  	[tilespmem:s18], [sflag:$0x2] =	stream.linear.gather @!p0 [hbm4b:s8+s17], $0x80, $0x38;
	[tilespmem:$0x2B00] =	vst v63  }
0x1d: {  	s17 =	simm.s32 @!p0 $0x2  }
0x1e: {  	_ =	swait.ge @!p0 [sflag:s17], $0x80  }
0x1f: {  	[sflag:s17] =	ssyncset.done @!p0 $0x0  }
0x20: {  	[sflag:s17] =	ssyncadd.s32 @!p0 $0xFFFFFF80;
	s17 =	simm.s32 @!p0 $0x4F  }
0x21: {  	s17 =	simm.s32 @p0 $0x4E  }
0x22: {  	p2 =	sne.s32 s17, $0x1  }
.Ltmp0:
0x23: {  	p1 =	por $0x1, $0x1;
	(pc) =	sbr.rel @!p2 .LBB2_3-.Ltmp0, $4  }
0x24: {  	s20 =	simm.s32 @!p1 $0x1;
	[bflag:$0x0] =	sbarrier.arrive $0xFFFF  }
0x25: {  	[spmem:s3] =	stream.indirect.scatter.add.f32 [tilespmem:s13], [sflag:$0x1], $0x1, s4, s14, $0xb8;
	[tilespmem:$0x2B00] =	vst v63  }
0x26: {  	_ =	swait.ge @!p1 [sflag:s20], $0x80  }
0x27: {  	s19 =	simm.s32 $0x0;
	s18 =	simm.s32 $0x1;
	[sflag:s20] =	ssyncset.done @!p1 $0x0  }
.LBB2_2:
0x28: {  	[sflag:s20] =	ssyncadd.s32 @!p1 $0xFFFFFF80  }
0x29: {  	s19 =	sadd.s32 $0x80, s19;
	s20 =	smov.u32 s18;
	s18 =	sadd.s32 $0x1, s18  }
0x2a: {  	p2 =	sne.s32 s17, s18  }
0x2b: {  	[spmem:s3] =	stream.indirect.scatter.add.f32 [tilespmem:s13], [sflag:$0x1], $0x1, s19, s14, $0xb8;
	[tilespmem:$0x2B00] =	vst v63  }
.Ltmp1:
0x2c: {  	_ = 	snop;
	(pc) =	sbr.rel @p2 .LBB2_2-.Ltmp1, $4  }
0x2d: {  	p1 =	slt.u32 s20, $0x10  }
0x2e: {  	s20 =	simm.s32 @!p1 $0x1  }
0x2f: {  	_ =	swait.ge @!p1 [sflag:s20], $0x80  }
0x30: {  	[sflag:s20] =	ssyncset.done @!p1 $0x0  }
.LBB2_3:
0x31: {  	[sflag:s20] =	ssyncadd.s32 @!p1 $0xFFFFFF80  }
0x32: {  	_ =	swait.ge [sflag:s15], $0x80  }
0x33: {  	[sflag:s15] =	ssyncset.done $0x0  }
0x34: {  	[sflag:s15] =	ssyncadd.s32 $0xFFFFFF80  }
0x35: {  	_ =	swait.ge [sflag:s15], $0x80  }
0x36: {  	[sflag:s15] =	ssyncset.done $0x0  }
0x37: {  	[sflag:s15] =	ssyncadd.s32 $0xFFFFFF80  }
0x38: {  	_ =	swait.ge [sflag:s15], $0x80  }
0x39: {  	[sflag:s15] =	ssyncset.done $0x0  }
0x3a: {  	[sflag:s15] =	ssyncadd.s32 $0xFFFFFF80  }
0x3b: {  	_ =	swait.ge [sflag:s15], $0x80  }
0x3c: {  	[sflag:s15] =	ssyncset.done $0x0  }
0x3d: {  	[sflag:s15] =	ssyncadd.s32 $0xFFFFFF80  }
0x3e: {  	_ =	swait.ge [sflag:s15], $0x80  }
0x3f: {  	[sflag:s15] =	ssyncset.done $0x0  }
0x40: {  	[sflag:s15] =	ssyncadd.s32 $0xFFFFFF80  }
0x41: {  	_ =	swait.ge [sflag:s15], $0x80  }
0x42: {  	[sflag:s15] =	ssyncset.done $0x0  }
0x43: {  	[sflag:s15] =	ssyncadd.s32 $0xFFFFFF80  }
0x44: {  	_ =	swait.ge [sflag:s15], $0x80  }
0x45: {  	[sflag:s15] =	ssyncset.done $0x0  }
0x46: {  	[sflag:s15] =	ssyncadd.s32 $0xFFFFFF80  }
0x47: {  	_ =	swait.ge [sflag:s15], $0x80  }
0x48: {  	[sflag:s15] =	ssyncset.done $0x0  }
0x49: {  	[sflag:s15] =	ssyncadd.s32 $0xFFFFFF80  }
0x4a: {  	_ =	swait.ge [sflag:s15], $0x80  }
0x4b: {  	[sflag:s15] =	ssyncset.done $0x0  }
0x4c: {  	[sflag:s15] =	ssyncadd.s32 $0xFFFFFF80  }
0x4d: {  	_ =	swait.ge [sflag:s15], $0x80  }
0x4e: {  	[sflag:s15] =	ssyncset.done $0x0  }
0x4f: {  	[sflag:s15] =	ssyncadd.s32 $0xFFFFFF80  }
0x50: {  	_ =	swait.ge [sflag:s15], $0x80  }
0x51: {  	[sflag:s15] =	ssyncset.done $0x0  }
0x52: {  	[sflag:s15] =	ssyncadd.s32 $0xFFFFFF80  }
0x53: {  	_ =	swait.ge [sflag:s15], $0x80  }
0x54: {  	[sflag:s15] =	ssyncset.done $0x0  }
0x55: {  	[sflag:s15] =	ssyncadd.s32 $0xFFFFFF80  }
0x56: {  	_ =	swait.ge [sflag:s15], $0x80  }
0x57: {  	[sflag:s15] =	ssyncset.done $0x0  }
0x58: {  	[sflag:s15] =	ssyncadd.s32 $0xFFFFFF80  }
0x59: {  	_ =	swait.ge [sflag:s15], $0x80  }
0x5a: {  	[sflag:s15] =	ssyncset.done $0x0  }
0x5b: {  	[sflag:s15] =	ssyncadd.s32 $0xFFFFFF80  }
0x5c: {  	_ =	swait.ge [sflag:s15], $0x80  }
0x5d: {  	[sflag:s15] =	ssyncset.done $0x0  }
0x5e: {  	[sflag:s15] =	ssyncadd.s32 $0xFFFFFF80  }
0x5f: {  	_ =	swait.ge [sflag:s15], $0x80  }
0x60: {  	s16 =	sadd.s32 $0x1, s16;
	[sflag:s15] =	ssyncset.done $0x0  }
0x61: {  	p1 =	sne.s32 s16, s10;
	[sflag:s15] =	ssyncadd.s32 $0xFFFFFF80  }
.Ltmp2:
0x62: {  	[bflag:$0x0] =	sbarrier.arrive $0xFFFF;
	(pc) =	sbr.rel @p1 .LBB2_1-.Ltmp2, $4  }
0x63: {  	[hbm:s9], [sflag:s6] =	dma.local [spmem:s11], $0x50  }
0x64: {  	_ =	swait.ge [sflag:s12], $0x50  }
0x65: {  	[sflag:s12] =	ssyncset.done $0x0  }
0x66: {  	[sflag:s12] =	ssyncadd.s32 $0xFFFFFFB0  }
0x67: {  	_ =	sfence.sel $0x180000  }
0x68: {  	[bflag:$0x0] =	sbarrier.arrive $0xFFFF  }
0x69: {  	p0 =	sne.s32 s0, $0x0;
	_ =	strace $0x90000047  }
0x6a: {  	s0 =	sadd.s32 @!p0 $0x100000, s1;
	[bflag:$0x2] =	sbarrier.arrive $0xFFFF  }
0x6b: {  	[sflag:s0] =	ssyncadd.tile.s32 @!p0 $0x1;
	_ =	shalt  }
.Lfunc_end2:
_tile_overlayer_lowered:
.L_overlay_start_2:
0x6c: {  	(tag) =	ssettag $0x2  }
0x6d: {  	s0 =	rddreg [dreg:$0x0];
	s2 =	stileid.u32  }
0x6e: {  	s1 =	rddreg [dreg:$0x1];
	p0 =	sne.s32 s2, $0x0  }
0x6f: {  	s3 =	rddreg [dreg:$0x2];
	[bflag:$0x3] =	sbarrier.arrive $0xFFFF;
	s2 =	simm.s32 @!p0 $0x1C02  }
0x70: {  	[timem:s3], [sflag:s2] =	dma.local @!p0 [hbm:s0], s1  }
0x71: {  	s0 =	simm.s32 @!p0 $0x2  }
0x72: {  	_ =	swait.ge @!p0 [sflag:s0], s1  }
0x73: {  	s1 =	ssub.s32 @!p0 $0x0, s1;
	[sflag:s0] =	ssyncset.done @!p0 $0x0  }
0x74: {  	[sflag:s0] =	ssyncadd.s32 @!p0 s1  }
0x75: {  	[bflag:$0x3] =	sbarrier.arrive $0xFFFF  }
0x76: {  	_ =	shalt  }

// kernel: kernel.9.cloned.1.call-start
scs
__scs_entry_jumppad:
0x0: {  	(pc) =	sbr.rel $0x88, $3  }
0x1: {  	(tag) =	ssettag $0x0;
	lr =	simm.s32 $0x1  }
0x2: {  	[smem:$0x3F9B] =	sst lr;
	_ =	strace $0xD0000000  }
0x3: {  	_ = 	snop  }
0x4: {  	_ = 	snop  }
0x5: {  	_ = 	snop  }
0x6: {  	_ = 	snop  }
0x7: {  	_ = 	snop  }
__scs_overlays_trampoline_lowered:
0x8: {  	[smem:$0x3FAA] =	sst s0  }
0x9: {  	[smem:$0x3FAB] =	sst s1  }
0xa: {  	[smem:$0x3FAC] =	sst s2  }
0xb: {  	[smem:$0x3FAD] =	sst s3  }
0xc: {  	[smem:$0x3FAE] =	sst s4  }
0xd: {  	[smem:$0x3FAF] =	sst s5  }
0xe: {  	[smem:$0x3FB0] =	sst s6  }
0xf: {  	[smem:$0x3FB1] =	sst s7  }
0x10: {  	[smem:$0x3FB2] =	sst s8  }
0x11: {  	[smem:$0x3FB3] =	sst s9;
	s0 =	simm.s32 @!p0 $0x0  }
0x12: {  	s1 =	sld [smem:$0x3F99];
	s0 =	simm.s32 @p0 $0x1  }
0x13: {  	[smem:$0x3FB4] =	sst s0;
	s0 =	simm.s32 @!p1 $0x0  }
0x14: {  	s2 =	sld [smem:$0x3F98];
	s0 =	simm.s32 @p1 $0x1  }
0x15: {  	[smem:$0x3FB5] =	sst s0;
	s0 =	simm.s32 @!p2 $0x0  }
0x16: {  	s3 =	sld [smem:$0x3FDB];
	s0 =	simm.s32 @p2 $0x1  }
0x17: {  	s4 =	simm.s32 $0x1BF5;
	[smem:$0x3FB7] =	sst s0  }
0x18: {  	s0 =	sld [smem:$0x3F9A];
	_ =	swait.ge [sflag:s4], $0x0  }
0x19: {  	s7 =	sld [smem:$0x3F9B]  }
0x1a: {  	s8 =	sadd.s32 $0xFFFFE003, lr  }
0x1b: {  	s9 =	sadd.s32 $0xFFFFFEF7, lr;
	s5 =	simm.s32 $0xFFFFFFFF;
	p2 =	slt.u32 s8, $0xFFFFF086  }
0x1c: {  	p1 =	slt.u32 s9, $0xF7A;
	s5 =	simm.s32 @!p2 $0x0  }
0x1d: {  	s5 =	simm.s32 @p1 $0x1;
	p0 =	seq.s32 s7, s2  }
0x1e: {  	s7 =	smul.u32 @!p0 $0xF7A, s2;
	p2 =	seq.s32 @!p0 s5, $0x0  }
0x1f: {  	s9 =	smul.u32 $0xF7A, s1;
	s8 =	simm.s32 @!p0 $0x1BF5;
	p2 =	por !p2, p0  }
0x20: {  	[sflag:s8] =	ssyncset.s32 @!p0 $0xFFFFF086;
	s6 =	sadd.s32 @!p0 s3, s7;
	s7 =	simm.s32 @!p0 $0x108  }
0x21: {  	s3 =	sadd.s32 s3, s9;
	s6 =	sadd.s32 @!p0 $0x88, s6;
	s7 =	simm.s32 @p2 $0x1082  }
0x22: {  	[simem:s7], [sflag:s8] =	dma.local @!p0 [hbm:s6], $0xF7A  }
0x23: {  	s9 =	sor.u32 $0xD0000000, s2;
	s6 =	simm.s32 $0x108;
	_ =	swait.ge @!p0 [sflag:s8], $0x0  }
0x24: {  	s3 =	sadd.s32 $0x88, s3;
	s6 =	simm.s32 @!p1 $0x1082;
	[sflag:s4] =	ssyncset.s32 $0xFFFFF086  }
0x25: {  	[simem:s6], [sflag:s4] =	dma.local [hbm:s3], $0xF7A  }
0x26: {  	[smem:$0x3F9B] =	sst s1;
	(tag) =	ssettag s2;
	_ =	strace s9  }
0x27: {  	s1 =	sld [smem:$0x3FAB]  }
0x28: {  	s2 =	sld [smem:$0x3FAC]  }
0x29: {  	s4 =	sld [smem:$0x3FAE]  }
0x2a: {  	p0 =	seq.s32 s5, $0x0;
	s5 =	sld [smem:$0x3FAF]  }
0x2b: {  	s6 =	sld [smem:$0x3FB0]  }
0x2c: {  	s7 =	sld [smem:$0x3FB1]  }
0x2d: {  	s3 =	simm.s32 $0x108;
	s8 =	sld [smem:$0x3FB2]  }
0x2e: {  	s3 =	simm.s32 @!p0 $0x1082;
	s9 =	sld [smem:$0x3FB3]  }
0x2f: {  	lr =	sadd.s32 s0, s3;
	s0 =	sld [smem:$0x3FAA]  }
0x30: {  	s3 =	sld [smem:$0x3FAD]  }
0x31: {  	[smem:$0x3FB6] =	sst s10  }
0x32: {  	s10 =	sld [smem:$0x3FB4];
	_ =	sdelay $0x3  }
0x33: {  	p0 =	seq.s32 s10, $0x1;
	s10 =	sld [smem:$0x3FB6];
	_ =	sdelay $0x3  }
0x34: {  	[smem:$0x3FB6] =	sst s10  }
0x35: {  	s10 =	sld [smem:$0x3FB5];
	_ =	sdelay $0x3  }
0x36: {  	p1 =	seq.s32 s10, $0x1;
	s10 =	sld [smem:$0x3FB6];
	_ =	sdelay $0x3  }
0x37: {  	[smem:$0x3FB6] =	sst s10  }
0x38: {  	s10 =	sld [smem:$0x3FB7]  }
0x39: {  	_ = 	snop;
	(pc) =	sbr.ind lr, $3  }
0x3a: {  	_ = 	snop  }
0x3b: {  	_ = 	snop  }
0x3c: {  	p2 =	seq.s32 s10, $0x1;
	s10 =	sld [smem:$0x3FB6]  }
0x3d: {  	_ =	shalt  }
0x3e: {  	_ =	shalt  }
0x3f: {  	_ =	shalt  }
0x40: {  	_ =	shalt  }
0x41: {  	_ =	shalt  }
0x42: {  	_ =	shalt  }
0x43: {  	_ =	shalt  }
0x44: {  	_ =	shalt  }
0x45: {  	_ =	shalt  }
0x46: {  	_ =	shalt  }
0x47: {  	_ =	shalt  }
0x48: {  	_ =	shalt  }
0x49: {  	_ =	shalt  }
0x4a: {  	_ =	shalt  }
0x4b: {  	_ =	shalt  }
0x4c: {  	_ =	shalt  }
0x4d: {  	_ =	shalt  }
0x4e: {  	_ =	shalt  }
0x4f: {  	_ =	shalt  }
0x50: {  	_ =	shalt  }
0x51: {  	_ =	shalt  }
0x52: {  	_ =	shalt  }
0x53: {  	_ =	shalt  }
0x54: {  	_ =	shalt  }
0x55: {  	_ =	shalt  }
0x56: {  	_ =	shalt  }
0x57: {  	_ =	shalt  }
0x58: {  	_ =	shalt  }
0x59: {  	_ =	shalt  }
0x5a: {  	_ =	shalt  }
0x5b: {  	_ =	shalt  }
0x5c: {  	_ =	shalt  }
0x5d: {  	_ =	shalt  }
0x5e: {  	_ =	shalt  }
0x5f: {  	_ =	shalt  }
0x60: {  	_ =	shalt  }
0x61: {  	_ =	shalt  }
0x62: {  	_ =	shalt  }
0x63: {  	_ =	shalt  }
0x64: {  	_ =	shalt  }
0x65: {  	_ =	shalt  }
0x66: {  	_ =	shalt  }
0x67: {  	_ =	shalt  }
0x68: {  	_ =	shalt  }
0x69: {  	_ =	shalt  }
0x6a: {  	_ =	shalt  }
0x6b: {  	_ =	shalt  }
0x6c: {  	_ =	shalt  }
0x6d: {  	_ =	shalt  }
0x6e: {  	_ =	shalt  }
0x6f: {  	_ =	shalt  }
0x70: {  	_ =	shalt  }
0x71: {  	_ =	shalt  }
0x72: {  	_ =	shalt  }
0x73: {  	_ =	shalt  }
0x74: {  	_ =	shalt  }
0x75: {  	_ =	shalt  }
0x76: {  	_ =	shalt  }
0x77: {  	_ =	shalt  }
0x78: {  	_ =	shalt  }
0x79: {  	_ =	shalt  }
0x7a: {  	_ =	shalt  }
0x7b: {  	_ =	shalt  }
0x7c: {  	_ =	shalt  }
0x7d: {  	_ =	shalt  }
0x7e: {  	_ =	shalt  }
0x7f: {  	_ =	shalt  }
0x80: {  	_ =	shalt  }
0x81: {  	_ =	shalt  }
0x82: {  	_ =	shalt  }
0x83: {  	_ =	shalt  }
0x84: {  	_ =	shalt  }
0x85: {  	_ =	shalt  }
0x86: {  	_ =	shalt  }
0x87: {  	_ =	shalt  }
.Lfunc_end0:
.L_simem_size_0:
called_computation.1_lowered:
.L_overlay_start_0:
0x88: {  	s2 =	sld [smem:$0x3FD9]  }
0x89: {  	s3 =	sld [smem:$0x3FFE];
	_ =	sdelay $0x1  }
0x8a: {  	s1 =	srdreg.scid  }
0x8b: {  	s0 =	sand.u32 $0x1, s1  }
0x8c: {  	s17 =	sshll.u32 s0, $0xA;
	s2 =	sadd.s32 s3, s2  }
0x8d: {  	s2 =	sadd.s32 s2, s17  }
0x8e: {  	[smem:$0x3FC2] =	sst s2  }
0x8f: {  	_ = 	snop  }
0x90: {  	s2 =	sld [smem:$0x3FC8];
	(tm) =	ssettm $0x1  }
0x91: {  	s18 =	sld [smem:$0x3FFB];
	_ =	sdelay $0x3  }
0x92: {  	_ =	strace s18  }
0x93: {  	s3 =	sld [smem:$0x3FFC];
	_ =	sdelay $0x3  }
0x94: {  	_ =	strace s3  }
0x95: {  	s3 =	sld [smem:$0x3FFD];
	_ =	sdelay $0x3  }
0x96: {  	_ =	strace s3  }
0x97: {  	_ =	strace $0x8FFFFFFF  }
0x98: {  	s19 =	sld [smem:$0x3FDB];
	_ =	sdelay $0x1  }
0x99: {  	s4 =	simm.s32 $_scs_section_size  }
0x9a: {  	s5 =	simm.s32 $_size__tile_overlayer_lowered;
	s6 =	simm.s32 $_tile_overlayer_lowered  }
0x9b: {  	s22 =	simm.s32 $0x1BFF;
	s21 =	sshll.u32 s6, $0x1;
	s3 =	sadd.s32 s4, s19  }
0x9c: {  	s7 =	simm.s32 $0x0;
	s20 =	sshll.u32 s5, $0x1;
	s5 =	sadd.s32 s21, s3  }
0x9d: {  	[timem:s7], [sflag:s22] =	dma.local [hbm:s5], s20  }
0x9e: {  	_ =	swait.ge [sflag:s22], s20  }
0x9f: {  	s4 =	ssub.s32 $0x0, s20;
	[sflag:s22] =	ssyncset.done $0x0  }
0xa0: {  	[sflag:s22] =	ssyncadd.s32 s4;
	_ =	sdelay $0x1  }
0xa1: {  	s23 =	simm.s32 $0x1B8B  }
0xa2: {  	_ =	swait.ge [sflag:s23], $0x1  }
0xa3: {  	[sflag:s23] =	ssyncset.done $0x0  }
0xa4: {  	s25 =	simm.s32 $0x1B8E;
	s24 =	sld [smem:$0x3FFE];
	[sflag:s23] =	ssyncadd.s32 $0xFFFFFFFF  }
0xa5: {  	s26 =	simm.s32 $execute0_lowered;
	[smem:$0x3FD2] =	sst s25  }
0xa6: {  	s5 =	sshll.u32 s26, $0x1;
	_ =	strace $0x80000049;
	[dreg:$0x1] =	wrdreg $0xFFFFFFFF  }
0xa7: {  	s28 =	simm.s32 $_size_execute0_lowered;
	s3 =	sadd.s32 s3, s5;
	[dreg:$0x0] =	wrdreg $0x0  }
0xa8: {  	s5 =	sshll.u32 s28, $0x1;
	[dreg:$0x2] =	wrdreg s3  }
0xa9: {  	[dreg:$0x3] =	wrdreg s5  }
0xaa: {  	[dreg:$0x4] =	wrdreg $0xC0  }
0xab: {  	_ =	task [dreg:s7], $0x5FFFF  }
0xac: {  	[dreg:$0x1] =	wrdreg $0xFFFFFFFF  }
0xad: {  	[dreg:$0x0] =	wrdreg $0x60  }
0xae: {  	[dreg:$0x2] =	wrdreg s2  }
0xaf: {  	[dreg:$0x3] =	wrdreg s24  }
0xb0: {  	[dreg:$0x4] =	wrdreg $0xAA000  }
0xb1: {  	[dreg:$0x5] =	wrdreg $0x9  }
0xb2: {  	_ =	task.clear_ibuf [dreg:s7], $0x6FFFF;
	_ =	strace $0x90000049  }
0xb3: {  	s29 =	simm.s32 $0x9;
	_ =	strace $0x8000004B  }
0xb4: {  	_ =	swait.ge [sflag:s29], $0x1  }
0xb5: {  	[sflag:s29] =	ssyncadd.s32 $0xFFFFFFFF  }
0xb6: {  	_ =	strace $0x9000004B  }
0xb7: {  	_ =	sfence  }
0xb8: {  	s30 =	sld [smem:$0x0];
	_ =	sdelay $0x2  }
0xb9: {  	s31 =	sshll.u32 s1, $0xD;
	s1 =	sshrl.u32 s1, $0x2  }
0xba: {  	s3 =	sand.u32 $0x4000, s31;
	s1 =	sadd.s32 s1, s30  }
0xbb: {  	s0 =	sor.u32 s3, s0;
	s1 =	sshll.u32 s1, $0x11  }
0xbc: {  	s0 =	sor.u32 s1, s0  }
0xbd: {  	s0 =	sadd.s32 $0x8F2B, s0  }
0xbe: {  	[sflag:s0] =	ssyncadd.remote.s32 $0x1  }
0xbf: {  	_ =	sfence.sel $0xFFFF  }
0xc0: {  	[dreg:$0x0] =	wrdreg $0xFFFFFFFF;
	(pc) =	sbr.abs _section_cstart, $3  }
0xc1: {  	[dreg:$0x1] =	wrdreg $0xFFFFFFFF  }
0xc2: {  	_ =	task.clear_ibuf [dreg:s7], $0x2FFFF;
	_ =	strace $0x9FFFFFFF  }
0xc3: {  	(tm) =	ssettm $0x7FFFFFFF  }
tec
execute0_lowered:
.L_overlay_start_1:
0x0: {  	(tag) =	ssettag $0x1  }
0x1: {  	s13 =	rddreg [dreg:$0x0]  }
0x2: {  	s0 =	srdreg.scid;
	s2 =	rddreg [dreg:$0x1]  }
0x3: {  	s21 =	stileid.u32;
	s3 =	rddreg [dreg:$0x2]  }
0x4: {  	s4 =	simm.s32 $0x0;
	s28 =	simm.s32 $0x6A00;
	s7 =	smul.u32 $0x14000, s21  }
0x5: {  	s29 =	simm.s32 $0x100;
	s30 =	simm.s32 $0x4;
	s9 =	smul.u32 $0x50000, s21  }
0x6: {  	s31 =	simm.s32 $0x3;
	s0 =	sand.u32 $0x1, s0;
	s11 =	smul.u32 $0x2800, s21  }
0x7: {  	s1 =	sshll.u32 s21, $0x1;
	[smem:$0x7FF] =	sst s4;
	s23 =	smul.u32 $0x9C, s21  }
0x8: {  	s10 =	sadd.s32 $0x33600, s2;
	s26 =	sshll.u32 s21, $0x6;
	s6 =	smul.u32 $0x140000, s0  }
0x9: {  	s1 =	sor.u32 s0, s1;
	_ =	strace $0x8000004A;
	s12 =	smul.u32 $0x4E, s0  }
0xa: {  	s16 =	ssub.s32 $0x2, s0;
	p0 =	sne.s32 s0, $0x0;
	s5 =	smul.u32 $0x500, s1  }
0xb: {  	s0 =	simm.s32 $0x1;
	s17 =	sshrl.u32 s16, $0x1;
	s19 =	smul.u32 $0x9C0, s1  }
0xc: {  	s18 =	sshrl.u32 s9, $0x2;
	s20 =	smul.u32 $0x4E00, s1;
	s1 =	sshll.u32 s1, $0x5  }
0xd: {  	s6 =	sadd.s32 s7, s6;
	s7 =	ssub.s32 s16, s17;
	s22 =	sadd.s32 s18, s3  }
0xe: {  	s1 =	sadd.s32 s1, s13;
	s8 =	sadd.s32 s5, s2;
	s5 =	sadd.s32 $0xB600, s2  }
0xf: {  	s6 =	sshrl.u32 s6, $0x3;
	s14 =	sadd.s32 $0x13810, s1;
	s9 =	sadd.s32 s13, s19  }
0x10: {  	s22 =	sshrl.u32 s22, $0x3;
	s2 =	sadd.s32 s6, s2;
	s6 =	sadd.s32 s5, s11  }
0x11: {  	s8 =	sadd.s32 $0x1600, s8;
	s11 =	sshrl.u32 s20, $0x3;
	[dreg:$0x5] =	wrdreg s14  }
0x12: {  	s24 =	sadd.s32 $0x20, s9;
	s14 =	smax.u32 s7, $0x1;
	[dreg:$0x4] =	wrdreg s8  }
0x13: {  	s11 =	sadd.s32 s13, s11;
	[dreg:$0x6] =	wrdreg s24;
	s8 =	sadd.s32 s12, s23  }
0x14: {  	s12 =	sadd.s32 $0x13800, s1;
	s13 =	sadd.s32 $0x35E00, s2;
	s6 =	smov.u32 @p0 s10  }
0x15: {  	p0 =	sgt.u32 s21, $0x1;
	s21 =	sor.u32 $0x1C06, s26;
	s23 =	simm.s32 $0x6  }
.Ltmp0:
0x16: {  	s26 =	simm.s32 $0x2A00;
	s2 =	simm.s32 $0x5;
	(pc) =	sbr.rel .LBB2_1-.Ltmp0, $4  }
0x17: {  	s1 =	simm.s32 $0x2;
	s11 =	sadd.s32 $0x40, s11;
	s25 =	sshll.u32 s8, $0x5  }
0x18: {  	s24 =	simm.s32 $0x0;
	[dreg:$0x7] =	wrdreg s11;
	s15 =	sadd.s32 $0x100, s25  }
0x19: {  	s16 =	sadd.s32 $0xE0, s25;
	s17 =	sadd.s32 $0xC0, s25;
	s18 =	sadd.s32 $0xA0, s25  }
0x1a: {  	s19 =	sadd.s32 $0x80, s25;
	s20 =	sadd.s32 $0x60, s25;
	s25 =	simm.s32 $0x80  }
.LBB2_4:
0x1b: {  	_ =	swait.ge [sflag:s30], $0x4000  }
0x1c: {  	[sflag:s30] =	ssyncset.done $0x0  }
0x1d: {  	s7 =	simm.s32 $0x2800;
	[sflag:s30] =	ssyncadd.s32 $0xFFFFC000  }
0x1e: {  	[spmem:s3] =	stream.indirect.scatter.add.f32 [tilespmem:s26], [sflag:$0x6], $0x80, s7, s25, $0xb8;
	[tilespmem:$0x1EA00] =	vst v63  }
0x1f: {  	_ =	swait.ge [sflag:s23], $0x4000  }
0x20: {  	[sflag:s23] =	ssyncset.done $0x0  }
0x21: {  	[sflag:s23] =	ssyncadd.s32 $0xFFFFC000  }
0x22: {  	_ =	swait.ge [sflag:s2], $0x4000  }
0x23: {  	[sflag:s2] =	ssyncset.done $0x0  }
0x24: {  	s11 =	simm.s32 $0x2880;
	[sflag:s2] =	ssyncadd.s32 $0xFFFFC000  }
0x25: {  	[spmem:s3] =	stream.indirect.scatter.add.f32 [tilespmem:s28], [sflag:$0x6], $0x80, s11, s25, $0xb8;
	[tilespmem:$0x1EA00] =	vst v63  }
0x26: {  	_ =	swait.ge [sflag:s23], $0x4000  }
0x27: {  	[sflag:s23] =	ssyncset.done $0x0  }
0x28: {  	s8 =	simm.s32 @!p0 $0x6;
	s7 =	simm.s32 @!p0 $0x0;
	[sflag:s23] =	ssyncadd.s32 $0xFFFFC000  }
0x29: {  	[tilespmem:s7], [sflag:$0x6] =	stream.linear.gather @!p0 [hbm4b:s12+s7], $0x80, $0x38;
	[tilespmem:$0x1EA00] =	vst v63  }
0x2a: {  	_ =	swait.ge @!p0 [sflag:s8], $0x80  }
0x2b: {  	[sflag:s8] =	ssyncset.done @!p0 $0x0  }
0x2c: {  	s10 =	simm.s32 @!p0 $0x80;
	s11 =	simm.s32 @!p0 $0x2A00;
	[sflag:s8] =	ssyncadd.s32 @!p0 $0xFFFFFF80  }
0x2d: {  	[tilespmem:s11], [sflag:$0x4] =	stream.indirect.gather @!p0 [hbm4b:s5+s10], $0x80, s7, s10, $0xb8;
	[tilespmem:$0x1EA00] =	vst v63  }
0x2e: {  	s7 =	simm.s32 @!p0 $0x4  }
0x2f: {  	_ =	swait.ge @!p0 [sflag:s7], $0x4000  }
0x30: {  	[sflag:s7] =	ssyncset.done @!p0 $0x0  }
0x31: {  	[sflag:s7] =	ssyncadd.s32 @!p0 $0xFFFFC000;
	s7 =	simm.s32 @!p0 $0x2900  }
0x32: {  	[spmem:s3] =	stream.indirect.scatter.add.f32 @!p0 [tilespmem:s11], [sflag:$0x6], $0x80, s7, s10, $0xb8;
	[tilespmem:$0x1EA00] =	vst v63  }
0x33: {  	_ =	swait.ge @!p0 [sflag:s8], $0x4000  }
0x34: {  	s24 =	sadd.s32 $0x1, s24;
	[sflag:s8] =	ssyncset.done @!p0 $0x0  }
0x35: {  	p1 =	sne.s32 s24, s14;
	[sflag:s8] =	ssyncadd.s32 @!p0 $0xFFFFC000  }
.Ltmp1:
0x36: {  	[bflag:$0x0] =	sbarrier.arrive $0xFFFF;
	(pc) =	sbr.rel @!p1 .LBB2_5-.Ltmp1, $4  }
0x37: {  	[hbm:s13], [sflag:s21] =	dma.local [spmem:s22], $0x2800  }
0x38: {  	_ =	swait.ge [sflag:s23], $0x2800  }
0x39: {  	[sflag:s23] =	ssyncset.done $0x0  }
0x3a: {  	[sflag:s23] =	ssyncadd.s32 $0xFFFFD800  }
.LBB2_1:
0x3b: {  	[spmem:s22], [sflag:s21] =	dma.local [hbm:s6], $0x2800  }
0x3c: {  	_ =	swait.ge [sflag:s23], $0x2800  }
0x3d: {  	[sflag:s23] =	ssyncset.done $0x0  }
0x3e: {  	s8 =	simm.s32 $0x200;
	s7 =	rddreg [dreg:$0x4];
	[sflag:s23] =	ssyncadd.s32 $0xFFFFD800  }
0x3f: {  	[tilespmem:s8], [sflag:$0x6] =	stream.linear.gather [hbm4b:s7+s4], $0x2700, $0x38;
	[tilespmem:$0x1EA00] =	vst v63  }
0x40: {  	_ =	swait.ge [sflag:s23], $0x2700  }
0x41: {  	s7 =	simm.s32 @!p0 $0x0;
	[sflag:s23] =	ssyncset.done $0x0  }
0x42: {  	s8 =	simm.s32 @!p0 $0x2900;
	s10 =	rddreg [dreg:$0x5];
	[sflag:s23] =	ssyncadd.s32 $0xFFFFD900  }
0x43: {  	[tilespmem:s8], [sflag:$0x6] =	stream.linear.gather @!p0 [hbm4b:s10+s7], $0x80, $0x38;
	[tilespmem:$0x1EA00] =	vst v63  }
0x44: {  	s7 =	simm.s32 @!p0 $0x6  }
0x45: {  	_ =	swait.ge @!p0 [sflag:s7], $0x80  }
0x46: {  	[sflag:s7] =	ssyncset.done @!p0 $0x0  }
0x47: {  	[sflag:s7] =	ssyncadd.s32 @!p0 $0xFFFFFF80  }
0x48: {  	[bflag:$0x0] =	sbarrier.arrive $0xFFFF  }
0x49: {  	[tilespmem:s4], [sflag:$0x6] =	stream.linear.gather [hbm4b:s9+s4], $0x80, $0x38;
	[tilespmem:$0x1EA00] =	vst v63  }
0x4a: {  	_ =	swait.ge [sflag:s23], $0x80  }
0x4b: {  	[sflag:s23] =	ssyncset.done $0x0  }
0x4c: {  	s10 =	rddreg [dreg:$0x6];
	[sflag:s23] =	ssyncadd.s32 $0xFFFFFF80  }
0x4d: {  	[tilespmem:s25], [sflag:$0x6] =	stream.linear.gather [hbm4b:s10+s4], $0x80, $0x38;
	[tilespmem:$0x1EA00] =	vst v63  }
0x4e: {  	_ =	swait.ge [sflag:s23], $0x80  }
0x4f: {  	[sflag:s23] =	ssyncset.done $0x0  }
0x50: {  	[sflag:s23] =	ssyncadd.s32 $0xFFFFFF80  }
0x51: {  	[tilespmem:s26], [sflag:$0x4] =	stream.indirect.gather [hbm4b:s5+s25], $0x80, s4, s25, $0xb8;
	[tilespmem:$0x1EA00] =	vst v63  }
0x52: {  	s11 =	rddreg [dreg:$0x7]  }
0x53: {  	[tilespmem:s28], [sflag:$0x5] =	stream.indirect.gather [hbm4b:s5+s25], $0x80, s25, s25, $0xb8;
	[tilespmem:$0x1EA00] =	vst v63  }
0x54: {  	s8 =	simm.s32 $0x0;
	s7 =	rddreg [dreg:$0x0]  }
0x55: {  	[tilespmem:s29], [sflag:$0x3] =	stream.linear.gather [hbm4b:s11+s4], $0x80, $0x38;
	[tilespmem:$0x1EA00] =	vst v63  }
.LBB2_2:
0x56: {  	_ =	swait.ge [sflag:s30], $0x4000  }
0x57: {  	s10 =	sshra.s32 s8, $0x2;
	[sflag:s30] =	ssyncset.done $0x0  }
0x58: {  	s11 =	sadd.s32 $0x200, s10;
	[sflag:s30] =	ssyncadd.s32 $0xFFFFC000  }
0x59: {  	[spmem:s3] =	stream.indirect.scatter.add.f32 [tilespmem:s26], [sflag:$0x6], $0x80, s11, s25, $0xb8;
	[tilespmem:$0x1EA00] =	vst v63  }
0x5a: {  	_ =	swait.ge [sflag:s23], $0x4000  }
0x5b: {  	[sflag:s23] =	ssyncset.done $0x0  }
0x5c: {  	[sflag:s23] =	ssyncadd.s32 $0xFFFFC000  }
0x5d: {  	_ =	swait.ge [sflag:s31], $0x80  }
0x5e: {  	[sflag:s31] =	ssyncset.done $0x0  }
0x5f: {  	[sflag:s31] =	ssyncadd.s32 $0xFFFFFF80  }
0x60: {  	[tilespmem:s26], [sflag:$0x4] =	stream.indirect.gather [hbm4b:s5+s25], $0x80, s29, s25, $0xb8;
	[tilespmem:$0x1EA00] =	vst v63  }
0x61: {  	s11 =	sadd.s32 s7, s20  }
0x62: {  	[tilespmem:s4], [sflag:$0x1] =	stream.linear.gather [hbm4b:s11+s4], $0x80, $0x38;
	[tilespmem:$0x1EA00] =	vst v63  }
0x63: {  	_ =	swait.ge [sflag:s2], $0x4000  }
0x64: {  	[sflag:s2] =	ssyncset.done $0x0  }
0x65: {  	s11 =	sadd.s32 $0x280, s10;
	[sflag:s2] =	ssyncadd.s32 $0xFFFFC000  }
0x66: {  	[spmem:s3] =	stream.indirect.scatter.add.f32 [tilespmem:s28], [sflag:$0x6], $0x80, s11, s25, $0xb8;
	[tilespmem:$0x1EA00] =	vst v63  }
0x67: {  	_ =	swait.ge [sflag:s23], $0x4000  }
0x68: {  	[sflag:s23] =	ssyncset.done $0x0  }
0x69: {  	[sflag:s23] =	ssyncadd.s32 $0xFFFFC000  }
0x6a: {  	_ =	swait.ge [sflag:s0], $0x80  }
0x6b: {  	[sflag:s0] =	ssyncset.done $0x0  }
0x6c: {  	[sflag:s0] =	ssyncadd.s32 $0xFFFFFF80  }
0x6d: {  	[tilespmem:s28], [sflag:$0x5] =	stream.indirect.gather [hbm4b:s5+s25], $0x80, s4, s25, $0xb8;
	[tilespmem:$0x1EA00] =	vst v63  }
0x6e: {  	s11 =	sadd.s32 s7, s19  }
0x6f: {  	[tilespmem:s25], [sflag:$0x2] =	stream.linear.gather [hbm4b:s11+s4], $0x80, $0x38;
	[tilespmem:$0x1EA00] =	vst v63  }
0x70: {  	_ =	swait.ge [sflag:s30], $0x4000  }
0x71: {  	[sflag:s30] =	ssyncset.done $0x0  }
0x72: {  	s11 =	sadd.s32 $0x300, s10;
	[sflag:s30] =	ssyncadd.s32 $0xFFFFC000  }
0x73: {  	[spmem:s3] =	stream.indirect.scatter.add.f32 [tilespmem:s26], [sflag:$0x6], $0x80, s11, s25, $0xb8;
	[tilespmem:$0x1EA00] =	vst v63  }
0x74: {  	_ =	swait.ge [sflag:s23], $0x4000  }
0x75: {  	[sflag:s23] =	ssyncset.done $0x0  }
0x76: {  	[sflag:s23] =	ssyncadd.s32 $0xFFFFC000  }
0x77: {  	_ =	swait.ge [sflag:s1], $0x80  }
0x78: {  	[sflag:s1] =	ssyncset.done $0x0  }
0x79: {  	[sflag:s1] =	ssyncadd.s32 $0xFFFFFF80  }
0x7a: {  	[tilespmem:s26], [sflag:$0x4] =	stream.indirect.gather [hbm4b:s5+s25], $0x80, s25, s25, $0xb8;
	[tilespmem:$0x1EA00] =	vst v63  }
0x7b: {  	s11 =	sadd.s32 s7, s18  }
0x7c: {  	[tilespmem:s29], [sflag:$0x3] =	stream.linear.gather [hbm4b:s11+s4], $0x80, $0x38;
	[tilespmem:$0x1EA00] =	vst v63  }
0x7d: {  	_ =	swait.ge [sflag:s2], $0x4000  }
0x7e: {  	[sflag:s2] =	ssyncset.done $0x0  }
0x7f: {  	s11 =	sadd.s32 $0x380, s10;
	[sflag:s2] =	ssyncadd.s32 $0xFFFFC000  }
0x80: {  	[spmem:s3] =	stream.indirect.scatter.add.f32 [tilespmem:s28], [sflag:$0x6], $0x80, s11, s25, $0xb8;
	[tilespmem:$0x1EA00] =	vst v63  }
0x81: {  	_ =	swait.ge [sflag:s23], $0x4000  }
0x82: {  	p1 =	seq.s32 s8, $0x9000;
	[sflag:s23] =	ssyncset.done $0x0  }
.Ltmp2:
0x83: {  	[sflag:s23] =	ssyncadd.s32 $0xFFFFC000;
	(pc) =	sbr.rel @p1 .LBB2_4-.Ltmp2, $4  }
0x84: {  	_ =	swait.ge [sflag:s31], $0x80  }
0x85: {  	[sflag:s31] =	ssyncset.done $0x0  }
0x86: {  	[sflag:s31] =	ssyncadd.s32 $0xFFFFFF80  }
0x87: {  	[tilespmem:s28], [sflag:$0x5] =	stream.indirect.gather [hbm4b:s5+s25], $0x80, s29, s25, $0xb8;
	[tilespmem:$0x1EA00] =	vst v63  }
0x88: {  	s11 =	sadd.s32 s7, s17  }
0x89: {  	[tilespmem:s4], [sflag:$0x1] =	stream.linear.gather [hbm4b:s11+s4], $0x80, $0x38;
	[tilespmem:$0x1EA00] =	vst v63  }
0x8a: {  	_ =	swait.ge [sflag:s30], $0x4000  }
0x8b: {  	[sflag:s30] =	ssyncset.done $0x0  }
0x8c: {  	s11 =	sadd.s32 $0x400, s10;
	[sflag:s30] =	ssyncadd.s32 $0xFFFFC000  }
0x8d: {  	[spmem:s3] =	stream.indirect.scatter.add.f32 [tilespmem:s26], [sflag:$0x6], $0x80, s11, s25, $0xb8;
	[tilespmem:$0x1EA00] =	vst v63  }
0x8e: {  	_ =	swait.ge [sflag:s23], $0x4000  }
0x8f: {  	[sflag:s23] =	ssyncset.done $0x0  }
0x90: {  	[sflag:s23] =	ssyncadd.s32 $0xFFFFC000  }
0x91: {  	_ =	swait.ge [sflag:s0], $0x80  }
0x92: {  	[sflag:s0] =	ssyncset.done $0x0  }
0x93: {  	[sflag:s0] =	ssyncadd.s32 $0xFFFFFF80  }
0x94: {  	[tilespmem:s26], [sflag:$0x4] =	stream.indirect.gather [hbm4b:s5+s25], $0x80, s4, s25, $0xb8;
	[tilespmem:$0x1EA00] =	vst v63  }
0x95: {  	s11 =	sadd.s32 s7, s16  }
0x96: {  	[tilespmem:s25], [sflag:$0x2] =	stream.linear.gather [hbm4b:s11+s4], $0x80, $0x38;
	[tilespmem:$0x1EA00] =	vst v63  }
0x97: {  	_ =	swait.ge [sflag:s2], $0x4000  }
0x98: {  	[sflag:s2] =	ssyncset.done $0x0  }
0x99: {  	s11 =	sadd.s32 $0x480, s10;
	[sflag:s2] =	ssyncadd.s32 $0xFFFFC000  }
0x9a: {  	[spmem:s3] =	stream.indirect.scatter.add.f32 [tilespmem:s28], [sflag:$0x6], $0x80, s11, s25, $0xb8;
	[tilespmem:$0x1EA00] =	vst v63  }
0x9b: {  	_ =	swait.ge [sflag:s23], $0x4000  }
0x9c: {  	[sflag:s23] =	ssyncset.done $0x0  }
0x9d: {  	[sflag:s23] =	ssyncadd.s32 $0xFFFFC000  }
0x9e: {  	_ =	swait.ge [sflag:s1], $0x80  }
.Ltmp3:
0x9f: {  	[sflag:s1] =	ssyncset.done $0x0;
	(pc) =	sbr.rel .LBB2_2-.Ltmp3, $4  }
0xa0: {  	[sflag:s1] =	ssyncadd.s32 $0xFFFFFF80  }
0xa1: {  	[tilespmem:s28], [sflag:$0x5] =	stream.indirect.gather [hbm4b:s5+s25], $0x80, s25, s25, $0xb8;
	[tilespmem:$0x1EA00] =	vst v63  }
0xa2: {  	s8 =	sadd.s32 $0xC00, s8;
	s11 =	sadd.s32 s7, s15;
	s7 =	sadd.s32 $0xC0, s7  }
0xa3: {  	[tilespmem:s29], [sflag:$0x3] =	stream.linear.gather [hbm4b:s11+s4], $0x80, $0x38;
	[tilespmem:$0x1EA00] =	vst v63  }
.LBB2_5:
0xa4: {  	_ =	sfence.sel $0x180000  }
0xa5: {  	[bflag:$0x0] =	sbarrier.arrive $0xFFFF  }
0xa6: {  	_ =	strace $0x9000004A  }
0xa7: {  	s0 =	stileid.u32;
	[bflag:$0x2] =	sbarrier.arrive $0xFFFF  }
0xa8: {  	p0 =	sne.s32 s0, $0x0;
	s0 =	rddreg [dreg:$0x3]  }
0xa9: {  	s0 =	sadd.s32 @!p0 $0x100000, s0  }
0xaa: {  	[sflag:s0] =	ssyncadd.tile.s32 @!p0 $0x1;
	_ =	shalt  }
.Lfunc_end2:
_tile_overlayer_lowered:
.L_overlay_start_2:
0xab: {  	(tag) =	ssettag $0x2  }
0xac: {  	s0 =	rddreg [dreg:$0x0];
	s2 =	stileid.u32  }
0xad: {  	s1 =	rddreg [dreg:$0x1];
	p0 =	sne.s32 s2, $0x0  }
0xae: {  	s3 =	rddreg [dreg:$0x2];
	[bflag:$0x3] =	sbarrier.arrive $0xFFFF;
	s2 =	simm.s32 @!p0 $0x1C06  }
0xaf: {  	[timem:s3], [sflag:s2] =	dma.local @!p0 [hbm:s0], s1  }
0xb0: {  	s0 =	simm.s32 @!p0 $0x6  }
0xb1: {  	_ =	swait.ge @!p0 [sflag:s0], s1  }
0xb2: {  	s1 =	ssub.s32 @!p0 $0x0, s1;
	[sflag:s0] =	ssyncset.done @!p0 $0x0  }
0xb3: {  	[sflag:s0] =	ssyncadd.s32 @!p0 s1  }
0xb4: {  	[bflag:$0x3] =	sbarrier.arrive $0xFFFF  }
0xb5: {  	_ =	shalt  }

</sc_bundles>
